<compile_context>
chip_gen: v7x
topology: tpu7x:2x2x1
jax: 0.10.2.dev20260603
libtpu: 0.0.44.dev20260713+nightly
codegen_flags: <defaults>
</compile_context>

<pallas_src>
import functools

import jax
import jax.numpy as jnp
from jax import lax
from jax.experimental import pallas as pl
from jax.experimental.pallas import tpu as pltpu
from jax.experimental.pallas import tpu_sc as plsc

N = 10000
E = 320000
D = 128
C = 40
CP = 128

NC = 2
NS = 16
NT = NC * NS
BL = 128
NB = 80
NBC = 16
EPT = NB * BL
PADE = NT * EPT - E
NPAD = 10112
RPT = NPAD // NS

_mesh = plsc.VectorSubcoreMesh(
    core_axis_name="c", subcore_axis_name="s", num_cores=NC, num_subcores=NS)



@functools.partial(
    pl.kernel,
    out_type=jax.ShapeDtypeStruct((NC, NPAD, D), jnp.float32),
    mesh=_mesh,
    scratch_types=[
        pltpu.VMEM((NB, BL), jnp.int32),
        pltpu.VMEM((BL, D), jnp.float32),
        pltpu.VMEM_SHARED((NPAD, D), jnp.float32),
    ],
)
def _sc_hist(dst_hbm, zeros_hbm, ones_hbm, out_hbm, idx_v, ones_v, acc_sh):
    cid = lax.axis_index("c")
    sid = lax.axis_index("s")
    t = cid * NS + sid
    pltpu.sync_copy(dst_hbm.at[t], idx_v)
    pltpu.sync_copy(ones_hbm, ones_v)
    r0 = sid * RPT
    pltpu.sync_copy(zeros_hbm.at[pl.ds(r0, RPT)], acc_sh.at[pl.ds(r0, RPT)])
    plsc.subcore_barrier()

    def body(j, carry):
        pltpu.sync_copy(ones_v, acc_sh.at[idx_v.at[j]], add=True)
        return carry

    lax.fori_loop(0, NB, body, 0)
    plsc.subcore_barrier()
    pltpu.sync_copy(acc_sh.at[pl.ds(r0, RPT)], out_hbm.at[cid, pl.ds(r0, RPT)])


def _make_sc_conv(width):
    @functools.partial(
        pl.kernel,
        out_type=jax.ShapeDtypeStruct((NC, NPAD, width), jnp.float32),
        mesh=_mesh,
        scratch_types=[
            pltpu.VMEM((NBC, BL), jnp.int32),
            pltpu.VMEM((NBC, BL), jnp.int32),
            pltpu.VMEM((BL, width), jnp.float32),
            pltpu.VMEM((BL, width), jnp.float32),
            pltpu.VMEM_SHARED((NPAD, width), jnp.float32),
            pltpu.SemaphoreType.DMA,
            pltpu.SemaphoreType.DMA,
        ],
    )
    def _sc_conv(src_hbm, dst_hbm, g_hbm, zeros_hbm, out_hbm,
                 isrc_v, idst_v, rows0_v, rows1_v, acc_sh, sem0, sem1):
        cid = lax.axis_index("c")
        sid = lax.axis_index("s")
        t = cid * NS + sid
        r0 = sid * RPT
        pltpu.sync_copy(zeros_hbm.at[pl.ds(r0, RPT)], acc_sh.at[pl.ds(r0, RPT)])
        plsc.subcore_barrier()

        def chunk(c, carry):
            pltpu.sync_copy(src_hbm.at[t, pl.ds(c * NBC, NBC)], isrc_v)
            pltpu.sync_copy(dst_hbm.at[t, pl.ds(c * NBC, NBC)], idst_v)
            pltpu.async_copy(g_hbm.at[isrc_v.at[0]], rows0_v, sem0)

            def body(i, carry2):
                j = 2 * i
                pltpu.make_async_copy(g_hbm.at[isrc_v.at[j]], rows0_v,
                                      sem0).wait()
                pltpu.async_copy(g_hbm.at[isrc_v.at[j + 1]], rows1_v, sem1)
                pltpu.sync_copy(rows0_v, acc_sh.at[idst_v.at[j]], add=True)
                pltpu.make_async_copy(g_hbm.at[isrc_v.at[j + 1]], rows1_v,
                                      sem1).wait()

                @pl.when(i + 1 < NBC // 2)
                def _():
                    pltpu.async_copy(g_hbm.at[isrc_v.at[j + 2]], rows0_v,
                                     sem0)

                pltpu.sync_copy(rows1_v, acc_sh.at[idst_v.at[j + 1]],
                                add=True)
                return carry2

            lax.fori_loop(0, NBC // 2, body, 0)
            return carry

        lax.fori_loop(0, NB // NBC, chunk, 0)
        plsc.subcore_barrier()
        pltpu.sync_copy(acc_sh.at[pl.ds(r0, RPT)],
                        out_hbm.at[cid, pl.ds(r0, RPT)])

    return _sc_conv


_sc_conv_d = _make_sc_conv(D)
_sc_conv_c = _make_sc_conv(CP)



def _dinv_from_hist(hist):
    deg = hist[0, :N, 0:1] + hist[1, :N, 0:1] + 1.0
    return lax.rsqrt(deg)


def _tc_a_body(x_ref, w1_ref, hist_ref, g1_ref):
    dinv = _dinv_from_hist(hist_ref[...])
    g1_ref[...] = dinv * jnp.dot(x_ref[...], w1_ref[...],
                                 preferred_element_type=jnp.float32)


def _tc_b_body(hist_ref, s1_ref, g1_ref, b1_ref, gamma_ref, beta_ref,
               w2_ref, g2_ref):
    dinv = _dinv_from_hist(hist_ref[...])
    s1 = s1_ref[...]
    h = dinv * (s1[0, :N, :] + s1[1, :N, :] + g1_ref[...]) + b1_ref[...]
    mean = jnp.mean(h, axis=0, keepdims=True)
    var = jnp.mean((h - mean) ** 2, axis=0, keepdims=True)
    hn = (h - mean) * lax.rsqrt(var + 1e-5) * gamma_ref[...] + beta_ref[...]
    hr = jnp.maximum(hn, 0.0)
    g2_ref[...] = dinv * jnp.dot(hr, w2_ref[...],
                                 preferred_element_type=jnp.float32)


def _tc_c_body(hist_ref, s2_ref, g2_ref, b2_ref, out_ref):
    dinv = _dinv_from_hist(hist_ref[...])
    s2 = s2_ref[...]
    out_ref[...] = dinv * (s2[0, :N, :] + s2[1, :N, :] + g2_ref[...]) \
        + b2_ref[...]



def kernel(x, edge_index, W1, b1, gamma, beta, W2, b2):
    src = edge_index[0]
    dst = edge_index[1]
    pad_iota = jnp.arange(PADE, dtype=jnp.int32)
    src_p = jnp.concatenate(
        [src, pad_iota % N]).reshape(NT, NB, BL)
    dst_p = jnp.concatenate(
        [dst, N + pad_iota % (NPAD - N)]).reshape(NT, NB, BL)

    zerosD = jnp.zeros((NPAD, D), jnp.float32)
    onesD = jnp.ones((BL, D), jnp.float32)

    hist = _sc_hist(dst_p, zerosD, onesD)

    g1 = pl.pallas_call(
        _tc_a_body,
        out_shape=jax.ShapeDtypeStruct((N, D), jnp.float32),
    )(x, W1, hist)

    s1 = _sc_conv_d(src_p, dst_p, g1, zerosD)

    W2p = jnp.pad(W2, ((0, 0), (0, CP - C)))
    g2 = pl.pallas_call(
        _tc_b_body,
        out_shape=jax.ShapeDtypeStruct((N, CP), jnp.float32),
    )(hist, s1, g1, b1.reshape(1, D), gamma.reshape(1, D),
      beta.reshape(1, D), W2p)

    s2 = _sc_conv_c(src_p, dst_p, g2, zerosD)

    b2p = jnp.pad(b2, (0, CP - C)).reshape(1, CP)
    out = pl.pallas_call(
        _tc_c_body,
        out_shape=jax.ShapeDtypeStruct((N, CP), jnp.float32),
    )(hist, s2, g2, b2p)

    return out[:, :C]

# --- scband reference (transcript-rebuilt; emitter-appended) ---
"""Pipeline reference for scband-gnnoutlier-24481313587385 (READ-ONLY COPY).

The authoritative reference and input builder live on the scoring server;
editing this copy changes nothing except your own understanding.
"""

import jax, jax.numpy as jnp
import numpy as np

N = 10000
E = 320000
D_IN = 128
D_HID = 128
N_CLS = 40


def setup_inputs(seed: int = 0) -> dict:
    key = jax.random.key(seed)
    ks = jax.random.split(key, 8)
    x = jax.random.normal(ks[0], (N, D_IN), dtype=jnp.float32)
    edge_index = jax.random.randint(ks[1], (2, E), 0, N, dtype=jnp.int32)
    # Learned parameters for the 2-layer GCN backbone (glorot-ish init)
    W1 = jax.random.normal(ks[2], (D_IN, D_HID), dtype=jnp.float32) * (1.0 / np.sqrt(D_IN))
    b1 = jnp.zeros((D_HID,), dtype=jnp.float32)
    gamma = jnp.ones((D_HID,), dtype=jnp.float32)
    beta = jnp.zeros((D_HID,), dtype=jnp.float32)
    W2 = jax.random.normal(ks[3], (D_HID, N_CLS), dtype=jnp.float32) * (1.0 / np.sqrt(D_HID))
    b2 = jnp.zeros((N_CLS,), dtype=jnp.float32)
    return {"x": x, "edge_index": edge_index, "W1": W1, "b1": b1,
            "gamma": gamma, "beta": beta, "W2": W2, "b2": b2}


def _gcn_conv(x, src, dst, norm, W, b):
    # GCNConv: x' = D^{-1/2} (A + I) D^{-1/2} X W + b
    h = x @ W
    msg = h[src] * norm[:, None]
    out = jnp.zeros((x.shape[0], W.shape[1]), dtype=x.dtype).at[dst].add(msg)
    return out + b


def reference(x, edge_index, W1, b1, gamma, beta, W2, b2):
    n = x.shape[0]
    loop = jnp.arange(n, dtype=edge_index.dtype)
    src = jnp.concatenate([edge_index[0], loop])
    dst = jnp.concatenate([edge_index[1], loop])
    deg = jnp.zeros((n,), dtype=jnp.float32).at[dst].add(1.0)
    dinv = jax.lax.rsqrt(deg)
    norm = dinv[src] * dinv[dst]
    # layer 1: conv -> bn -> relu (dropout is identity in eval)
    h = _gcn_conv(x, src, dst, norm, W1, b1)
    mean = h.mean(axis=0)
    var = h.var(axis=0)
    h = (h - mean) * jax.lax.rsqrt(var + 1e-5) * gamma + beta
    h = jax.nn.relu(h)
    # layer 2: final conv produces logits (penultimate = h)
    logits = _gcn_conv(h, src, dst, norm, W2, b2)
    return logits

if __name__ == "__main__":
    import jax
    _d = setup_inputs()
    print(jax.jit(kernel)(*tuple(_d.values())))

</pallas_src>

<mosaic_0001>
#map = affine_map<(d0, d1) -> (0, 0, 0)>
#map1 = affine_map<(d0, d1) -> (0, 0)>
module attributes {stable_mosaic.version = 14 : i64} {
  func.func @_sc_conv(%arg0: i32, %arg1: i32, %arg2: memref<32x80x128xi32, #tpu.memory_space<hbm>>, %arg3: memref<32x80x128xi32, #tpu.memory_space<hbm>>, %arg4: memref<10000x128xf32, #tpu.memory_space<hbm>>, %arg5: memref<10112x128xf32, #tpu.memory_space<hbm>>, %arg6: memref<2x10112x128xf32, #tpu.memory_space<hbm>>, %arg7: memref<16x128xi32, #tpu.memory_space<vmem>>, %arg8: memref<16x128xi32, #tpu.memory_space<vmem>>, %arg9: memref<128x128xf32, #tpu.memory_space<vmem>>, %arg10: memref<128x128xf32, #tpu.memory_space<vmem>>, %arg11: memref<10112x128xf32, #tpu.memory_space<vmem_shared>>, %arg12: memref<!tpu.dma_semaphore, #tpu.memory_space<semaphore_mem>>, %arg13: memref<!tpu.dma_semaphore, #tpu.memory_space<semaphore_mem>>) attributes {dimension_semantics = [#tpu.dimension_semantics<core_parallel>, #tpu.dimension_semantics<subcore_parallel>], iteration_bounds = array<i64: 2, 16>, scalar_prefetch = 0 : i64, scratch_operands = 7 : i64, tpu.core_type = #tpu.core_type<sc_vector_subcore>, window_params = [{transform_indices = #map}, {transform_indices = #map}, {transform_indices = #map1}, {transform_indices = #map1}, {transform_indices = #map}]} {
    %mul3A = arith.constant 16 : i32
    %mul3A_0 = arith.muli %arg0, %mul3A : i32
    %add3A = arith.addi %mul3A_0, %arg1 : i32
    %mul3A_1 = arith.constant 632 : i32
    %mul3A_2 = arith.muli %arg1, %mul3A_1 : i32
    "tpu.region"() ({
      %run_scoped3A = tpu.sem_alloc : memref<!tpu.dma_semaphore, #tpu.memory_space<semaphore_mem>>
      %dma_start3A = arith.constant 0 : i32
      %dma_start3A_9 = tpu.memref_slice %arg11[%mul3A_2, %dma_start3A] : memref<10112x128xf32, #tpu.memory_space<vmem_shared>> -> memref<632x128xf32, #tpu.memory_space<vmem_shared>>
      %dma_start3A_10 = arith.constant 0 : i32
      %dma_start3A_11 = tpu.memref_slice %arg5[%mul3A_2, %dma_start3A_10] : memref<10112x128xf32, #tpu.memory_space<hbm>> -> memref<632x128xf32, #tpu.memory_space<hbm>>
      tpu.enqueue_dma source(%dma_start3A_11 : memref<632x128xf32, #tpu.memory_space<hbm>>) target(%dma_start3A_9 : memref<632x128xf32, #tpu.memory_space<vmem_shared>>) target_semaphore(%run_scoped3A : memref<!tpu.dma_semaphore, #tpu.memory_space<semaphore_mem>>)
      %dma_wait3A = arith.constant 0 : i32
      %dma_wait3A_12 = tpu.memref_slice %arg11[%mul3A_2, %dma_wait3A] : memref<10112x128xf32, #tpu.memory_space<vmem_shared>> -> memref<632x128xf32, #tpu.memory_space<vmem_shared>>
      %dma_wait3A_13 = arith.constant 0 : i32
      %dma_wait3A_14 = tpu.memref_slice %arg5[%mul3A_2, %dma_wait3A_13] : memref<10112x128xf32, #tpu.memory_space<hbm>> -> memref<632x128xf32, #tpu.memory_space<hbm>>
      tpu.wait_dma2 semaphore(%run_scoped3A : memref<!tpu.dma_semaphore, #tpu.memory_space<semaphore_mem>>) src(%dma_wait3A_14 : memref<632x128xf32, #tpu.memory_space<hbm>>) dst(%dma_wait3A_12 : memref<632x128xf32, #tpu.memory_space<vmem_shared>>)
      tpu.yield
    }) : () -> ()
    %barrier3A = arith.constant 0 : index
    tpu.barrier barrier_id(%barrier3A)
    %scan3A = arith.constant 0 : i32
    %scan3A_3 = arith.constant 0 : i32
    %scan3A_4 = arith.constant 5 : i32
    %scan3A_5 = arith.addi %scan3A_3, %scan3A_4 : i32
    %scan3A_6 = arith.constant 1 : i32
    scf.for %scan3A_9 = %scan3A_3 to %scan3A_5 step %scan3A_6  : i32 {
      %mul3A_10 = arith.constant 16 : i32
      %mul3A_11 = arith.muli %scan3A_9, %mul3A_10 : i32
      "tpu.region"() ({
        %run_scoped3A = tpu.sem_alloc : memref<!tpu.dma_semaphore, #tpu.memory_space<semaphore_mem>>
        %dma_start3A_26 = arith.constant 0 : i32
        %dma_start3A_27 = tpu.memref_slice %arg2[%add3A, %mul3A_11, %dma_start3A_26] : memref<32x80x128xi32, #tpu.memory_space<hbm>> -> memref<1x16x128xi32, #tpu.memory_space<hbm>>
        %dma_start3A_28 = tpu.memref_squeeze %dma_start3A_27 : memref<1x16x128xi32, #tpu.memory_space<hbm>> -> memref<16x128xi32, #tpu.memory_space<hbm>>
        %dma_start3A_29 = arith.constant 0 : i32
        %dma_start3A_30 = tpu.memref_slice %arg2[%add3A, %mul3A_11, %dma_start3A_29] : memref<32x80x128xi32, #tpu.memory_space<hbm>> -> memref<1x16x128xi32, #tpu.memory_space<hbm>>
        %dma_start3A_31 = tpu.memref_squeeze %dma_start3A_30 : memref<1x16x128xi32, #tpu.memory_space<hbm>> -> memref<16x128xi32, #tpu.memory_space<hbm>>
        tpu.enqueue_dma source(%dma_start3A_31 : memref<16x128xi32, #tpu.memory_space<hbm>>) target(%arg7 : memref<16x128xi32, #tpu.memory_space<vmem>>) target_semaphore(%run_scoped3A : memref<!tpu.dma_semaphore, #tpu.memory_space<semaphore_mem>>)
        %dma_wait3A = arith.constant 0 : i32
        %dma_wait3A_32 = tpu.memref_slice %arg2[%add3A, %mul3A_11, %dma_wait3A] : memref<32x80x128xi32, #tpu.memory_space<hbm>> -> memref<1x16x128xi32, #tpu.memory_space<hbm>>
        %dma_wait3A_33 = tpu.memref_squeeze %dma_wait3A_32 : memref<1x16x128xi32, #tpu.memory_space<hbm>> -> memref<16x128xi32, #tpu.memory_space<hbm>>
        %dma_wait3A_34 = arith.constant 0 : i32
        %dma_wait3A_35 = tpu.memref_slice %arg2[%add3A, %mul3A_11, %dma_wait3A_34] : memref<32x80x128xi32, #tpu.memory_space<hbm>> -> memref<1x16x128xi32, #tpu.memory_space<hbm>>
        %dma_wait3A_36 = tpu.memref_squeeze %dma_wait3A_35 : memref<1x16x128xi32, #tpu.memory_space<hbm>> -> memref<16x128xi32, #tpu.memory_space<hbm>>
        tpu.wait_dma2 semaphore(%run_scoped3A : memref<!tpu.dma_semaphore, #tpu.memory_space<semaphore_mem>>) src(%dma_wait3A_36 : memref<16x128xi32, #tpu.memory_space<hbm>>) dst(%arg7 : memref<16x128xi32, #tpu.memory_space<vmem>>)
        tpu.yield
      }) : () -> ()
      %mul3A_12 = arith.constant 16 : i32
      %mul3A_13 = arith.muli %scan3A_9, %mul3A_12 : i32
      "tpu.region"() ({
        %run_scoped3A = tpu.sem_alloc : memref<!tpu.dma_semaphore, #tpu.memory_space<semaphore_mem>>
        %dma_start3A_26 = arith.constant 0 : i32
        %dma_start3A_27 = tpu.memref_slice %arg3[%add3A, %mul3A_13, %dma_start3A_26] : memref<32x80x128xi32, #tpu.memory_space<hbm>> -> memref<1x16x128xi32, #tpu.memory_space<hbm>>
        %dma_start3A_28 = tpu.memref_squeeze %dma_start3A_27 : memref<1x16x128xi32, #tpu.memory_space<hbm>> -> memref<16x128xi32, #tpu.memory_space<hbm>>
        %dma_start3A_29 = arith.constant 0 : i32
        %dma_start3A_30 = tpu.memref_slice %arg3[%add3A, %mul3A_13, %dma_start3A_29] : memref<32x80x128xi32, #tpu.memory_space<hbm>> -> memref<1x16x128xi32, #tpu.memory_space<hbm>>
        %dma_start3A_31 = tpu.memref_squeeze %dma_start3A_30 : memref<1x16x128xi32, #tpu.memory_space<hbm>> -> memref<16x128xi32, #tpu.memory_space<hbm>>
        tpu.enqueue_dma source(%dma_start3A_31 : memref<16x128xi32, #tpu.memory_space<hbm>>) target(%arg8 : memref<16x128xi32, #tpu.memory_space<vmem>>) target_semaphore(%run_scoped3A : memref<!tpu.dma_semaphore, #tpu.memory_space<semaphore_mem>>)
        %dma_wait3A = arith.constant 0 : i32
        %dma_wait3A_32 = tpu.memref_slice %arg3[%add3A, %mul3A_13, %dma_wait3A] : memref<32x80x128xi32, #tpu.memory_space<hbm>> -> memref<1x16x128xi32, #tpu.memory_space<hbm>>
        %dma_wait3A_33 = tpu.memref_squeeze %dma_wait3A_32 : memref<1x16x128xi32, #tpu.memory_space<hbm>> -> memref<16x128xi32, #tpu.memory_space<hbm>>
        %dma_wait3A_34 = arith.constant 0 : i32
        %dma_wait3A_35 = tpu.memref_slice %arg3[%add3A, %mul3A_13, %dma_wait3A_34] : memref<32x80x128xi32, #tpu.memory_space<hbm>> -> memref<1x16x128xi32, #tpu.memory_space<hbm>>
        %dma_wait3A_36 = tpu.memref_squeeze %dma_wait3A_35 : memref<1x16x128xi32, #tpu.memory_space<hbm>> -> memref<16x128xi32, #tpu.memory_space<hbm>>
        tpu.wait_dma2 semaphore(%run_scoped3A : memref<!tpu.dma_semaphore, #tpu.memory_space<semaphore_mem>>) src(%dma_wait3A_36 : memref<16x128xi32, #tpu.memory_space<hbm>>) dst(%arg8 : memref<16x128xi32, #tpu.memory_space<vmem>>)
        tpu.yield
      }) : () -> ()
      %dma_start3A = arith.constant 0 : i32
      %dma_start3A_14 = arith.constant 0 : i32
      %dma_start3A_15 = tpu.memref_slice %arg7[%dma_start3A, %dma_start3A_14] : memref<16x128xi32, #tpu.memory_space<vmem>> -> memref<1x128xi32, #tpu.memory_space<vmem>>
      %dma_start3A_16 = tpu.memref_squeeze %dma_start3A_15 : memref<1x128xi32, #tpu.memory_space<vmem>> -> memref<128xi32, #tpu.memory_space<vmem>>
      %dma_start3A_17 = arith.constant 0 : i32
      %dma_start3A_18 = arith.constant 0 : i32
      %dma_start3A_19 = tpu.memref_slice %arg4[%dma_start3A_17, %dma_start3A_18] : memref<10000x128xf32, #tpu.memory_space<hbm>> -> memref<10000x128xf32, #tpu.memory_space<hbm>>
      tpu.enqueue_indirect_dma source(%dma_start3A_19 : memref<10000x128xf32, #tpu.memory_space<hbm>>) target(%arg9 : memref<128x128xf32, #tpu.memory_space<vmem>>) offsets(%dma_start3A_16 : memref<128xi32, #tpu.memory_space<vmem>>) semaphore(%arg12 : memref<!tpu.dma_semaphore, #tpu.memory_space<semaphore_mem>>)
      %scan3A_20 = arith.constant 0 : i32
      %scan3A_21 = arith.constant 0 : i32
      %scan3A_22 = arith.constant 8 : i32
      %scan3A_23 = arith.addi %scan3A_21, %scan3A_22 : i32
      %scan3A_24 = arith.constant 1 : i32
      scf.for %scan3A_26 = %scan3A_21 to %scan3A_23 step %scan3A_24  : i32 {
        %mul3A_27 = arith.constant 2 : i32
        %mul3A_28 = arith.muli %mul3A_27, %scan3A_26 : i32
        %dma_wait3A = arith.constant 0 : i32
        %dma_wait3A_29 = tpu.memref_slice %arg7[%mul3A_28, %dma_wait3A] : memref<16x128xi32, #tpu.memory_space<vmem>> -> memref<1x128xi32, #tpu.memory_space<vmem>>
        %dma_wait3A_30 = tpu.memref_squeeze %dma_wait3A_29 : memref<1x128xi32, #tpu.memory_space<vmem>> -> memref<128xi32, #tpu.memory_space<vmem>>
        %dma_wait3A_31 = arith.constant 0 : i32
        %dma_wait3A_32 = arith.constant 0 : i32
        %dma_wait3A_33 = tpu.memref_slice %arg4[%dma_wait3A_31, %dma_wait3A_32] : memref<10000x128xf32, #tpu.memory_space<hbm>> -> memref<10000x128xf32, #tpu.memory_space<hbm>>
        tpu.wait_indirect_dma semaphore(%arg12 : memref<!tpu.dma_semaphore, #tpu.memory_space<semaphore_mem>>) src(%dma_wait3A_33 : memref<10000x128xf32, #tpu.memory_space<hbm>>) dst(%arg9 : memref<128x128xf32, #tpu.memory_space<vmem>>)
        %add3A_34 = arith.constant 1 : i32
        %add3A_35 = arith.addi %mul3A_28, %add3A_34 : i32
        %dma_start3A_36 = arith.constant 0 : i32
        %dma_start3A_37 = tpu.memref_slice %arg7[%add3A_35, %dma_start3A_36] : memref<16x128xi32, #tpu.memory_space<vmem>> -> memref<1x128xi32, #tpu.memory_space<vmem>>
        %dma_start3A_38 = tpu.memref_squeeze %dma_start3A_37 : memref<1x128xi32, #tpu.memory_space<vmem>> -> memref<128xi32, #tpu.memory_space<vmem>>
        %dma_start3A_39 = arith.constant 0 : i32
        %dma_start3A_40 = arith.constant 0 : i32
        %dma_start3A_41 = tpu.memref_slice %arg4[%dma_start3A_39, %dma_start3A_40] : memref<10000x128xf32, #tpu.memory_space<hbm>> -> memref<10000x128xf32, #tpu.memory_space<hbm>>
        tpu.enqueue_indirect_dma source(%dma_start3A_41 : memref<10000x128xf32, #tpu.memory_space<hbm>>) target(%arg10 : memref<128x128xf32, #tpu.memory_space<vmem>>) offsets(%dma_start3A_38 : memref<128xi32, #tpu.memory_space<vmem>>) semaphore(%arg13 : memref<!tpu.dma_semaphore, #tpu.memory_space<semaphore_mem>>)
        "tpu.region"() ({
          %run_scoped3A = tpu.sem_alloc : memref<!tpu.dma_semaphore, #tpu.memory_space<semaphore_mem>>
          %dma_start3A_56 = arith.constant 0 : i32
          %dma_start3A_57 = tpu.memref_slice %arg8[%mul3A_28, %dma_start3A_56] : memref<16x128xi32, #tpu.memory_space<vmem>> -> memref<1x128xi32, #tpu.memory_space<vmem>>
          %dma_start3A_58 = tpu.memref_squeeze %dma_start3A_57 : memref<1x128xi32, #tpu.memory_space<vmem>> -> memref<128xi32, #tpu.memory_space<vmem>>
          %dma_start3A_59 = arith.constant 0 : i32
          %dma_start3A_60 = arith.constant 0 : i32
          %dma_start3A_61 = tpu.memref_slice %arg11[%dma_start3A_59, %dma_start3A_60] : memref<10112x128xf32, #tpu.memory_space<vmem_shared>> -> memref<10112x128xf32, #tpu.memory_space<vmem_shared>>
          tpu.enqueue_indirect_dma source(%arg9 : memref<128x128xf32, #tpu.memory_space<vmem>>) target(%dma_start3A_61 : memref<10112x128xf32, #tpu.memory_space<vmem_shared>>) offsets(%dma_start3A_58 : memref<128xi32, #tpu.memory_space<vmem>>) semaphore(%run_scoped3A : memref<!tpu.dma_semaphore, #tpu.memory_space<semaphore_mem>>) {add = true}
          %dma_wait3A_62 = arith.constant 0 : i32
          %dma_wait3A_63 = tpu.memref_slice %arg8[%mul3A_28, %dma_wait3A_62] : memref<16x128xi32, #tpu.memory_space<vmem>> -> memref<1x128xi32, #tpu.memory_space<vmem>>
          %dma_wait3A_64 = tpu.memref_squeeze %dma_wait3A_63 : memref<1x128xi32, #tpu.memory_space<vmem>> -> memref<128xi32, #tpu.memory_space<vmem>>
          %dma_wait3A_65 = arith.constant 0 : i32
          %dma_wait3A_66 = arith.constant 0 : i32
          %dma_wait3A_67 = tpu.memref_slice %arg11[%dma_wait3A_65, %dma_wait3A_66] : memref<10112x128xf32, #tpu.memory_space<vmem_shared>> -> memref<10112x128xf32, #tpu.memory_space<vmem_shared>>
          tpu.wait_indirect_dma semaphore(%run_scoped3A : memref<!tpu.dma_semaphore, #tpu.memory_space<semaphore_mem>>) src(%arg9 : memref<128x128xf32, #tpu.memory_space<vmem>>) dst(%dma_wait3A_67 : memref<10112x128xf32, #tpu.memory_space<vmem_shared>>)
          tpu.yield
        }) : () -> ()
        %add3A_42 = arith.constant 1 : i32
        %add3A_43 = arith.addi %mul3A_28, %add3A_42 : i32
        %dma_wait3A_44 = arith.constant 0 : i32
        %dma_wait3A_45 = tpu.memref_slice %arg7[%add3A_43, %dma_wait3A_44] : memref<16x128xi32, #tpu.memory_space<vmem>> -> memref<1x128xi32, #tpu.memory_space<vmem>>
        %dma_wait3A_46 = tpu.memref_squeeze %dma_wait3A_45 : memref<1x128xi32, #tpu.memory_space<vmem>> -> memref<128xi32, #tpu.memory_space<vmem>>
        %dma_wait3A_47 = arith.constant 0 : i32
        %dma_wait3A_48 = arith.constant 0 : i32
        %dma_wait3A_49 = tpu.memref_slice %arg4[%dma_wait3A_47, %dma_wait3A_48] : memref<10000x128xf32, #tpu.memory_space<hbm>> -> memref<10000x128xf32, #tpu.memory_space<hbm>>
        tpu.wait_indirect_dma semaphore(%arg13 : memref<!tpu.dma_semaphore, #tpu.memory_space<semaphore_mem>>) src(%dma_wait3A_49 : memref<10000x128xf32, #tpu.memory_space<hbm>>) dst(%arg10 : memref<128x128xf32, #tpu.memory_space<vmem>>)
        %add3A_50 = arith.constant 1 : i32
        %add3A_51 = arith.addi %scan3A_26, %add3A_50 : i32
        %lt3A = arith.constant 8 : i32
        %lt3A_52 = arith.cmpi slt, %add3A_51, %lt3A : i32
        %convert_element_type3A = arith.extui %lt3A_52 : i1 to i32
        %cond3A = arith.constant 0 : i32
        %cond3A_53 = arith.cmpi ne, %convert_element_type3A, %cond3A : i32
        scf.if %cond3A_53 {
          %add3A_56 = arith.constant 2 : i32
          %add3A_57 = arith.addi %mul3A_28, %add3A_56 : i32
          %dma_start3A_58 = arith.constant 0 : i32
          %dma_start3A_59 = tpu.memref_slice %arg7[%add3A_57, %dma_start3A_58] : memref<16x128xi32, #tpu.memory_space<vmem>> -> memref<1x128xi32, #tpu.memory_space<vmem>>
          %dma_start3A_60 = tpu.memref_squeeze %dma_start3A_59 : memref<1x128xi32, #tpu.memory_space<vmem>> -> memref<128xi32, #tpu.memory_space<vmem>>
          %dma_start3A_61 = arith.constant 0 : i32
          %dma_start3A_62 = arith.constant 0 : i32
          %dma_start3A_63 = tpu.memref_slice %arg4[%dma_start3A_61, %dma_start3A_62] : memref<10000x128xf32, #tpu.memory_space<hbm>> -> memref<10000x128xf32, #tpu.memory_space<hbm>>
          tpu.enqueue_indirect_dma source(%dma_start3A_63 : memref<10000x128xf32, #tpu.memory_space<hbm>>) target(%arg9 : memref<128x128xf32, #tpu.memory_space<vmem>>) offsets(%dma_start3A_60 : memref<128xi32, #tpu.memory_space<vmem>>) semaphore(%arg12 : memref<!tpu.dma_semaphore, #tpu.memory_space<semaphore_mem>>)
        } else {
        }
        %add3A_54 = arith.constant 1 : i32
        %add3A_55 = arith.addi %mul3A_28, %add3A_54 : i32
        "tpu.region"() ({
          %run_scoped3A = tpu.sem_alloc : memref<!tpu.dma_semaphore, #tpu.memory_space<semaphore_mem>>
          %dma_start3A_56 = arith.constant 0 : i32
          %dma_start3A_57 = tpu.memref_slice %arg8[%add3A_55, %dma_start3A_56] : memref<16x128xi32, #tpu.memory_space<vmem>> -> memref<1x128xi32, #tpu.memory_space<vmem>>
          %dma_start3A_58 = tpu.memref_squeeze %dma_start3A_57 : memref<1x128xi32, #tpu.memory_space<vmem>> -> memref<128xi32, #tpu.memory_space<vmem>>
          %dma_start3A_59 = arith.constant 0 : i32
          %dma_start3A_60 = arith.constant 0 : i32
          %dma_start3A_61 = tpu.memref_slice %arg11[%dma_start3A_59, %dma_start3A_60] : memref<10112x128xf32, #tpu.memory_space<vmem_shared>> -> memref<10112x128xf32, #tpu.memory_space<vmem_shared>>
          tpu.enqueue_indirect_dma source(%arg10 : memref<128x128xf32, #tpu.memory_space<vmem>>) target(%dma_start3A_61 : memref<10112x128xf32, #tpu.memory_space<vmem_shared>>) offsets(%dma_start3A_58 : memref<128xi32, #tpu.memory_space<vmem>>) semaphore(%run_scoped3A : memref<!tpu.dma_semaphore, #tpu.memory_space<semaphore_mem>>) {add = true}
          %dma_wait3A_62 = arith.constant 0 : i32
          %dma_wait3A_63 = tpu.memref_slice %arg8[%add3A_55, %dma_wait3A_62] : memref<16x128xi32, #tpu.memory_space<vmem>> -> memref<1x128xi32, #tpu.memory_space<vmem>>
          %dma_wait3A_64 = tpu.memref_squeeze %dma_wait3A_63 : memref<1x128xi32, #tpu.memory_space<vmem>> -> memref<128xi32, #tpu.memory_space<vmem>>
          %dma_wait3A_65 = arith.constant 0 : i32
          %dma_wait3A_66 = arith.constant 0 : i32
          %dma_wait3A_67 = tpu.memref_slice %arg11[%dma_wait3A_65, %dma_wait3A_66] : memref<10112x128xf32, #tpu.memory_space<vmem_shared>> -> memref<10112x128xf32, #tpu.memory_space<vmem_shared>>
          tpu.wait_indirect_dma semaphore(%run_scoped3A : memref<!tpu.dma_semaphore, #tpu.memory_space<semaphore_mem>>) src(%arg10 : memref<128x128xf32, #tpu.memory_space<vmem>>) dst(%dma_wait3A_67 : memref<10112x128xf32, #tpu.memory_space<vmem_shared>>)
          tpu.yield
        }) : () -> ()
      }
      %scan3A_25 = arith.constant 8 : i32
    }
    %scan3A_7 = arith.constant 5 : i32
    %barrier3A_8 = arith.constant 0 : index
    tpu.barrier barrier_id(%barrier3A_8)
    "tpu.region"() ({
      %run_scoped3A = tpu.sem_alloc : memref<!tpu.dma_semaphore, #tpu.memory_space<semaphore_mem>>
      %dma_start3A = arith.constant 0 : i32
      %dma_start3A_9 = tpu.memref_slice %arg6[%arg0, %mul3A_2, %dma_start3A] : memref<2x10112x128xf32, #tpu.memory_space<hbm>> -> memref<1x632x128xf32, #tpu.memory_space<hbm>>
      %dma_start3A_10 = tpu.memref_squeeze %dma_start3A_9 : memref<1x632x128xf32, #tpu.memory_space<hbm>> -> memref<632x128xf32, #tpu.memory_space<hbm>>
      %dma_start3A_11 = arith.constant 0 : i32
      %dma_start3A_12 = tpu.memref_slice %arg11[%mul3A_2, %dma_start3A_11] : memref<10112x128xf32, #tpu.memory_space<vmem_shared>> -> memref<632x128xf32, #tpu.memory_space<vmem_shared>>
      tpu.enqueue_dma source(%dma_start3A_12 : memref<632x128xf32, #tpu.memory_space<vmem_shared>>) target(%dma_start3A_10 : memref<632x128xf32, #tpu.memory_space<hbm>>) target_semaphore(%run_scoped3A : memref<!tpu.dma_semaphore, #tpu.memory_space<semaphore_mem>>)
      %dma_wait3A = arith.constant 0 : i32
      %dma_wait3A_13 = tpu.memref_slice %arg6[%arg0, %mul3A_2, %dma_wait3A] : memref<2x10112x128xf32, #tpu.memory_space<hbm>> -> memref<1x632x128xf32, #tpu.memory_space<hbm>>
      %dma_wait3A_14 = tpu.memref_squeeze %dma_wait3A_13 : memref<1x632x128xf32, #tpu.memory_space<hbm>> -> memref<632x128xf32, #tpu.memory_space<hbm>>
      %dma_wait3A_15 = arith.constant 0 : i32
      %dma_wait3A_16 = tpu.memref_slice %arg11[%mul3A_2, %dma_wait3A_15] : memref<10112x128xf32, #tpu.memory_space<vmem_shared>> -> memref<632x128xf32, #tpu.memory_space<vmem_shared>>
      tpu.wait_dma2 semaphore(%run_scoped3A : memref<!tpu.dma_semaphore, #tpu.memory_space<semaphore_mem>>) src(%dma_wait3A_16 : memref<632x128xf32, #tpu.memory_space<vmem_shared>>) dst(%dma_wait3A_14 : memref<632x128xf32, #tpu.memory_space<hbm>>)
      tpu.yield
    }) : () -> ()
    return
  }
}

#map = affine_map<(d0, d1) -> (0, 0, 0)>
#map1 = affine_map<(d0, d1) -> (0, 0)>
module attributes {stable_mosaic.version = 14 : i64} {
  func.func @_sc_hist(%arg0: i32, %arg1: i32, %arg2: memref<32x80x128xi32, #tpu.memory_space<hbm>>, %arg3: memref<10112x128xf32, #tpu.memory_space<hbm>>, %arg4: memref<128x128xf32, #tpu.memory_space<hbm>>, %arg5: memref<2x10112x128xf32, #tpu.memory_space<hbm>>, %arg6: memref<80x128xi32, #tpu.memory_space<vmem>>, %arg7: memref<128x128xf32, #tpu.memory_space<vmem>>, %arg8: memref<10112x128xf32, #tpu.memory_space<vmem_shared>>) attributes {dimension_semantics = [#tpu.dimension_semantics<core_parallel>, #tpu.dimension_semantics<subcore_parallel>], iteration_bounds = array<i64: 2, 16>, scalar_prefetch = 0 : i64, scratch_operands = 3 : i64, tpu.core_type = #tpu.core_type<sc_vector_subcore>, window_params = [{transform_indices = #map}, {transform_indices = #map1}, {transform_indices = #map1}, {transform_indices = #map}]} {
    %mul3A = arith.constant 16 : i32
    %mul3A_0 = arith.muli %arg0, %mul3A : i32
    %add3A = arith.addi %mul3A_0, %arg1 : i32
    "tpu.region"() ({
      %run_scoped3A = tpu.sem_alloc : memref<!tpu.dma_semaphore, #tpu.memory_space<semaphore_mem>>
      %dma_start3A = arith.constant 0 : i32
      %dma_start3A_9 = arith.constant 0 : i32
      %dma_start3A_10 = tpu.memref_slice %arg2[%add3A, %dma_start3A, %dma_start3A_9] : memref<32x80x128xi32, #tpu.memory_space<hbm>> -> memref<1x80x128xi32, #tpu.memory_space<hbm>>
      %dma_start3A_11 = tpu.memref_squeeze %dma_start3A_10 : memref<1x80x128xi32, #tpu.memory_space<hbm>> -> memref<80x128xi32, #tpu.memory_space<hbm>>
      %dma_start3A_12 = arith.constant 0 : i32
      %dma_start3A_13 = arith.constant 0 : i32
      %dma_start3A_14 = tpu.memref_slice %arg2[%add3A, %dma_start3A_12, %dma_start3A_13] : memref<32x80x128xi32, #tpu.memory_space<hbm>> -> memref<1x80x128xi32, #tpu.memory_space<hbm>>
      %dma_start3A_15 = tpu.memref_squeeze %dma_start3A_14 : memref<1x80x128xi32, #tpu.memory_space<hbm>> -> memref<80x128xi32, #tpu.memory_space<hbm>>
      tpu.enqueue_dma source(%dma_start3A_15 : memref<80x128xi32, #tpu.memory_space<hbm>>) target(%arg6 : memref<80x128xi32, #tpu.memory_space<vmem>>) target_semaphore(%run_scoped3A : memref<!tpu.dma_semaphore, #tpu.memory_space<semaphore_mem>>)
      %dma_wait3A = arith.constant 0 : i32
      %dma_wait3A_16 = arith.constant 0 : i32
      %dma_wait3A_17 = tpu.memref_slice %arg2[%add3A, %dma_wait3A, %dma_wait3A_16] : memref<32x80x128xi32, #tpu.memory_space<hbm>> -> memref<1x80x128xi32, #tpu.memory_space<hbm>>
      %dma_wait3A_18 = tpu.memref_squeeze %dma_wait3A_17 : memref<1x80x128xi32, #tpu.memory_space<hbm>> -> memref<80x128xi32, #tpu.memory_space<hbm>>
      %dma_wait3A_19 = arith.constant 0 : i32
      %dma_wait3A_20 = arith.constant 0 : i32
      %dma_wait3A_21 = tpu.memref_slice %arg2[%add3A, %dma_wait3A_19, %dma_wait3A_20] : memref<32x80x128xi32, #tpu.memory_space<hbm>> -> memref<1x80x128xi32, #tpu.memory_space<hbm>>
      %dma_wait3A_22 = tpu.memref_squeeze %dma_wait3A_21 : memref<1x80x128xi32, #tpu.memory_space<hbm>> -> memref<80x128xi32, #tpu.memory_space<hbm>>
      tpu.wait_dma2 semaphore(%run_scoped3A : memref<!tpu.dma_semaphore, #tpu.memory_space<semaphore_mem>>) src(%dma_wait3A_22 : memref<80x128xi32, #tpu.memory_space<hbm>>) dst(%arg6 : memref<80x128xi32, #tpu.memory_space<vmem>>)
      tpu.yield
    }) : () -> ()
    "tpu.region"() ({
      %run_scoped3A = tpu.sem_alloc : memref<!tpu.dma_semaphore, #tpu.memory_space<semaphore_mem>>
      tpu.enqueue_dma source(%arg4 : memref<128x128xf32, #tpu.memory_space<hbm>>) target(%arg7 : memref<128x128xf32, #tpu.memory_space<vmem>>) target_semaphore(%run_scoped3A : memref<!tpu.dma_semaphore, #tpu.memory_space<semaphore_mem>>)
      tpu.wait_dma2 semaphore(%run_scoped3A : memref<!tpu.dma_semaphore, #tpu.memory_space<semaphore_mem>>) src(%arg4 : memref<128x128xf32, #tpu.memory_space<hbm>>) dst(%arg7 : memref<128x128xf32, #tpu.memory_space<vmem>>)
      tpu.yield
    }) : () -> ()
    %mul3A_1 = arith.constant 632 : i32
    %mul3A_2 = arith.muli %arg1, %mul3A_1 : i32
    "tpu.region"() ({
      %run_scoped3A = tpu.sem_alloc : memref<!tpu.dma_semaphore, #tpu.memory_space<semaphore_mem>>
      %dma_start3A = arith.constant 0 : i32
      %dma_start3A_9 = tpu.memref_slice %arg8[%mul3A_2, %dma_start3A] : memref<10112x128xf32, #tpu.memory_space<vmem_shared>> -> memref<632x128xf32, #tpu.memory_space<vmem_shared>>
      %dma_start3A_10 = arith.constant 0 : i32
      %dma_start3A_11 = tpu.memref_slice %arg3[%mul3A_2, %dma_start3A_10] : memref<10112x128xf32, #tpu.memory_space<hbm>> -> memref<632x128xf32, #tpu.memory_space<hbm>>
      tpu.enqueue_dma source(%dma_start3A_11 : memref<632x128xf32, #tpu.memory_space<hbm>>) target(%dma_start3A_9 : memref<632x128xf32, #tpu.memory_space<vmem_shared>>) target_semaphore(%run_scoped3A : memref<!tpu.dma_semaphore, #tpu.memory_space<semaphore_mem>>)
      %dma_wait3A = arith.constant 0 : i32
      %dma_wait3A_12 = tpu.memref_slice %arg8[%mul3A_2, %dma_wait3A] : memref<10112x128xf32, #tpu.memory_space<vmem_shared>> -> memref<632x128xf32, #tpu.memory_space<vmem_shared>>
      %dma_wait3A_13 = arith.constant 0 : i32
      %dma_wait3A_14 = tpu.memref_slice %arg3[%mul3A_2, %dma_wait3A_13] : memref<10112x128xf32, #tpu.memory_space<hbm>> -> memref<632x128xf32, #tpu.memory_space<hbm>>
      tpu.wait_dma2 semaphore(%run_scoped3A : memref<!tpu.dma_semaphore, #tpu.memory_space<semaphore_mem>>) src(%dma_wait3A_14 : memref<632x128xf32, #tpu.memory_space<hbm>>) dst(%dma_wait3A_12 : memref<632x128xf32, #tpu.memory_space<vmem_shared>>)
      tpu.yield
    }) : () -> ()
    %barrier3A = arith.constant 0 : index
    tpu.barrier barrier_id(%barrier3A)
    %scan3A = arith.constant 0 : i32
    %scan3A_3 = arith.constant 0 : i32
    %scan3A_4 = arith.constant 80 : i32
    %scan3A_5 = arith.addi %scan3A_3, %scan3A_4 : i32
    %scan3A_6 = arith.constant 1 : i32
    scf.for %scan3A_9 = %scan3A_3 to %scan3A_5 step %scan3A_6  : i32 {
      "tpu.region"() ({
        %run_scoped3A = tpu.sem_alloc : memref<!tpu.dma_semaphore, #tpu.memory_space<semaphore_mem>>
        %dma_start3A = arith.constant 0 : i32
        %dma_start3A_10 = tpu.memref_slice %arg6[%scan3A_9, %dma_start3A] : memref<80x128xi32, #tpu.memory_space<vmem>> -> memref<1x128xi32, #tpu.memory_space<vmem>>
        %dma_start3A_11 = tpu.memref_squeeze %dma_start3A_10 : memref<1x128xi32, #tpu.memory_space<vmem>> -> memref<128xi32, #tpu.memory_space<vmem>>
        %dma_start3A_12 = arith.constant 0 : i32
        %dma_start3A_13 = arith.constant 0 : i32
        %dma_start3A_14 = tpu.memref_slice %arg8[%dma_start3A_12, %dma_start3A_13] : memref<10112x128xf32, #tpu.memory_space<vmem_shared>> -> memref<10112x128xf32, #tpu.memory_space<vmem_shared>>
        tpu.enqueue_indirect_dma source(%arg7 : memref<128x128xf32, #tpu.memory_space<vmem>>) target(%dma_start3A_14 : memref<10112x128xf32, #tpu.memory_space<vmem_shared>>) offsets(%dma_start3A_11 : memref<128xi32, #tpu.memory_space<vmem>>) semaphore(%run_scoped3A : memref<!tpu.dma_semaphore, #tpu.memory_space<semaphore_mem>>) {add = true}
        %dma_wait3A = arith.constant 0 : i32
        %dma_wait3A_15 = tpu.memref_slice %arg6[%scan3A_9, %dma_wait3A] : memref<80x128xi32, #tpu.memory_space<vmem>> -> memref<1x128xi32, #tpu.memory_space<vmem>>
        %dma_wait3A_16 = tpu.memref_squeeze %dma_wait3A_15 : memref<1x128xi32, #tpu.memory_space<vmem>> -> memref<128xi32, #tpu.memory_space<vmem>>
        %dma_wait3A_17 = arith.constant 0 : i32
        %dma_wait3A_18 = arith.constant 0 : i32
        %dma_wait3A_19 = tpu.memref_slice %arg8[%dma_wait3A_17, %dma_wait3A_18] : memref<10112x128xf32, #tpu.memory_space<vmem_shared>> -> memref<10112x128xf32, #tpu.memory_space<vmem_shared>>
        tpu.wait_indirect_dma semaphore(%run_scoped3A : memref<!tpu.dma_semaphore, #tpu.memory_space<semaphore_mem>>) src(%arg7 : memref<128x128xf32, #tpu.memory_space<vmem>>) dst(%dma_wait3A_19 : memref<10112x128xf32, #tpu.memory_space<vmem_shared>>)
        tpu.yield
      }) : () -> ()
    }
    %scan3A_7 = arith.constant 80 : i32
    %barrier3A_8 = arith.constant 0 : index
    tpu.barrier barrier_id(%barrier3A_8)
    "tpu.region"() ({
      %run_scoped3A = tpu.sem_alloc : memref<!tpu.dma_semaphore, #tpu.memory_space<semaphore_mem>>
      %dma_start3A = arith.constant 0 : i32
      %dma_start3A_9 = tpu.memref_slice %arg5[%arg0, %mul3A_2, %dma_start3A] : memref<2x10112x128xf32, #tpu.memory_space<hbm>> -> memref<1x632x128xf32, #tpu.memory_space<hbm>>
      %dma_start3A_10 = tpu.memref_squeeze %dma_start3A_9 : memref<1x632x128xf32, #tpu.memory_space<hbm>> -> memref<632x128xf32, #tpu.memory_space<hbm>>
      %dma_start3A_11 = arith.constant 0 : i32
      %dma_start3A_12 = tpu.memref_slice %arg8[%mul3A_2, %dma_start3A_11] : memref<10112x128xf32, #tpu.memory_space<vmem_shared>> -> memref<632x128xf32, #tpu.memory_space<vmem_shared>>
      tpu.enqueue_dma source(%dma_start3A_12 : memref<632x128xf32, #tpu.memory_space<vmem_shared>>) target(%dma_start3A_10 : memref<632x128xf32, #tpu.memory_space<hbm>>) target_semaphore(%run_scoped3A : memref<!tpu.dma_semaphore, #tpu.memory_space<semaphore_mem>>)
      %dma_wait3A = arith.constant 0 : i32
      %dma_wait3A_13 = tpu.memref_slice %arg5[%arg0, %mul3A_2, %dma_wait3A] : memref<2x10112x128xf32, #tpu.memory_space<hbm>> -> memref<1x632x128xf32, #tpu.memory_space<hbm>>
      %dma_wait3A_14 = tpu.memref_squeeze %dma_wait3A_13 : memref<1x632x128xf32, #tpu.memory_space<hbm>> -> memref<632x128xf32, #tpu.memory_space<hbm>>
      %dma_wait3A_15 = arith.constant 0 : i32
      %dma_wait3A_16 = tpu.memref_slice %arg8[%mul3A_2, %dma_wait3A_15] : memref<10112x128xf32, #tpu.memory_space<vmem_shared>> -> memref<632x128xf32, #tpu.memory_space<vmem_shared>>
      tpu.wait_dma2 semaphore(%run_scoped3A : memref<!tpu.dma_semaphore, #tpu.memory_space<semaphore_mem>>) src(%dma_wait3A_16 : memref<632x128xf32, #tpu.memory_space<vmem_shared>>) dst(%dma_wait3A_14 : memref<632x128xf32, #tpu.memory_space<hbm>>)
      tpu.yield
    }) : () -> ()
    return
  }
}

#map = affine_map<(d0, d1) -> (0, 0, 0)>
#map1 = affine_map<(d0, d1) -> (0, 0)>
module attributes {stable_mosaic.version = 14 : i64} {
  func.func @_sc_conv(%arg0: i32, %arg1: i32, %arg2: memref<32x80x128xi32, #tpu.memory_space<hbm>>, %arg3: memref<32x80x128xi32, #tpu.memory_space<hbm>>, %arg4: memref<10000x128xf32, #tpu.memory_space<hbm>>, %arg5: memref<10112x128xf32, #tpu.memory_space<hbm>>, %arg6: memref<2x10112x128xf32, #tpu.memory_space<hbm>>, %arg7: memref<16x128xi32, #tpu.memory_space<vmem>>, %arg8: memref<16x128xi32, #tpu.memory_space<vmem>>, %arg9: memref<128x128xf32, #tpu.memory_space<vmem>>, %arg10: memref<128x128xf32, #tpu.memory_space<vmem>>, %arg11: memref<10112x128xf32, #tpu.memory_space<vmem_shared>>, %arg12: memref<!tpu.dma_semaphore, #tpu.memory_space<semaphore_mem>>, %arg13: memref<!tpu.dma_semaphore, #tpu.memory_space<semaphore_mem>>) attributes {dimension_semantics = [#tpu.dimension_semantics<core_parallel>, #tpu.dimension_semantics<subcore_parallel>], iteration_bounds = array<i64: 2, 16>, scalar_prefetch = 0 : i64, scratch_operands = 7 : i64, tpu.core_type = #tpu.core_type<sc_vector_subcore>, window_params = [{transform_indices = #map}, {transform_indices = #map}, {transform_indices = #map1}, {transform_indices = #map1}, {transform_indices = #map}]} {
    %mul3A = arith.constant 16 : i32
    %mul3A_0 = arith.muli %arg0, %mul3A : i32
    %add3A = arith.addi %mul3A_0, %arg1 : i32
    %mul3A_1 = arith.constant 632 : i32
    %mul3A_2 = arith.muli %arg1, %mul3A_1 : i32
    "tpu.region"() ({
      %run_scoped3A = tpu.sem_alloc : memref<!tpu.dma_semaphore, #tpu.memory_space<semaphore_mem>>
      %dma_start3A = arith.constant 0 : i32
      %dma_start3A_9 = tpu.memref_slice %arg11[%mul3A_2, %dma_start3A] : memref<10112x128xf32, #tpu.memory_space<vmem_shared>> -> memref<632x128xf32, #tpu.memory_space<vmem_shared>>
      %dma_start3A_10 = arith.constant 0 : i32
      %dma_start3A_11 = tpu.memref_slice %arg5[%mul3A_2, %dma_start3A_10] : memref<10112x128xf32, #tpu.memory_space<hbm>> -> memref<632x128xf32, #tpu.memory_space<hbm>>
      tpu.enqueue_dma source(%dma_start3A_11 : memref<632x128xf32, #tpu.memory_space<hbm>>) target(%dma_start3A_9 : memref<632x128xf32, #tpu.memory_space<vmem_shared>>) target_semaphore(%run_scoped3A : memref<!tpu.dma_semaphore, #tpu.memory_space<semaphore_mem>>)
      %dma_wait3A = arith.constant 0 : i32
      %dma_wait3A_12 = tpu.memref_slice %arg11[%mul3A_2, %dma_wait3A] : memref<10112x128xf32, #tpu.memory_space<vmem_shared>> -> memref<632x128xf32, #tpu.memory_space<vmem_shared>>
      %dma_wait3A_13 = arith.constant 0 : i32
      %dma_wait3A_14 = tpu.memref_slice %arg5[%mul3A_2, %dma_wait3A_13] : memref<10112x128xf32, #tpu.memory_space<hbm>> -> memref<632x128xf32, #tpu.memory_space<hbm>>
      tpu.wait_dma2 semaphore(%run_scoped3A : memref<!tpu.dma_semaphore, #tpu.memory_space<semaphore_mem>>) src(%dma_wait3A_14 : memref<632x128xf32, #tpu.memory_space<hbm>>) dst(%dma_wait3A_12 : memref<632x128xf32, #tpu.memory_space<vmem_shared>>)
      tpu.yield
    }) : () -> ()
    %barrier3A = arith.constant 0 : index
    tpu.barrier barrier_id(%barrier3A)
    %scan3A = arith.constant 0 : i32
    %scan3A_3 = arith.constant 0 : i32
    %scan3A_4 = arith.constant 5 : i32
    %scan3A_5 = arith.addi %scan3A_3, %scan3A_4 : i32
    %scan3A_6 = arith.constant 1 : i32
    scf.for %scan3A_9 = %scan3A_3 to %scan3A_5 step %scan3A_6  : i32 {
      %mul3A_10 = arith.constant 16 : i32
      %mul3A_11 = arith.muli %scan3A_9, %mul3A_10 : i32
      "tpu.region"() ({
        %run_scoped3A = tpu.sem_alloc : memref<!tpu.dma_semaphore, #tpu.memory_space<semaphore_mem>>
        %dma_start3A_26 = arith.constant 0 : i32
        %dma_start3A_27 = tpu.memref_slice %arg2[%add3A, %mul3A_11, %dma_start3A_26] : memref<32x80x128xi32, #tpu.memory_space<hbm>> -> memref<1x16x128xi32, #tpu.memory_space<hbm>>
        %dma_start3A_28 = tpu.memref_squeeze %dma_start3A_27 : memref<1x16x128xi32, #tpu.memory_space<hbm>> -> memref<16x128xi32, #tpu.memory_space<hbm>>
        %dma_start3A_29 = arith.constant 0 : i32
        %dma_start3A_30 = tpu.memref_slice %arg2[%add3A, %mul3A_11, %dma_start3A_29] : memref<32x80x128xi32, #tpu.memory_space<hbm>> -> memref<1x16x128xi32, #tpu.memory_space<hbm>>
        %dma_start3A_31 = tpu.memref_squeeze %dma_start3A_30 : memref<1x16x128xi32, #tpu.memory_space<hbm>> -> memref<16x128xi32, #tpu.memory_space<hbm>>
        tpu.enqueue_dma source(%dma_start3A_31 : memref<16x128xi32, #tpu.memory_space<hbm>>) target(%arg7 : memref<16x128xi32, #tpu.memory_space<vmem>>) target_semaphore(%run_scoped3A : memref<!tpu.dma_semaphore, #tpu.memory_space<semaphore_mem>>)
        %dma_wait3A = arith.constant 0 : i32
        %dma_wait3A_32 = tpu.memref_slice %arg2[%add3A, %mul3A_11, %dma_wait3A] : memref<32x80x128xi32, #tpu.memory_space<hbm>> -> memref<1x16x128xi32, #tpu.memory_space<hbm>>
        %dma_wait3A_33 = tpu.memref_squeeze %dma_wait3A_32 : memref<1x16x128xi32, #tpu.memory_space<hbm>> -> memref<16x128xi32, #tpu.memory_space<hbm>>
        %dma_wait3A_34 = arith.constant 0 : i32
        %dma_wait3A_35 = tpu.memref_slice %arg2[%add3A, %mul3A_11, %dma_wait3A_34] : memref<32x80x128xi32, #tpu.memory_space<hbm>> -> memref<1x16x128xi32, #tpu.memory_space<hbm>>
        %dma_wait3A_36 = tpu.memref_squeeze %dma_wait3A_35 : memref<1x16x128xi32, #tpu.memory_space<hbm>> -> memref<16x128xi32, #tpu.memory_space<hbm>>
        tpu.wait_dma2 semaphore(%run_scoped3A : memref<!tpu.dma_semaphore, #tpu.memory_space<semaphore_mem>>) src(%dma_wait3A_36 : memref<16x128xi32, #tpu.memory_space<hbm>>) dst(%arg7 : memref<16x128xi32, #tpu.memory_space<vmem>>)
        tpu.yield
      }) : () -> ()
      %mul3A_12 = arith.constant 16 : i32
      %mul3A_13 = arith.muli %scan3A_9, %mul3A_12 : i32
      "tpu.region"() ({
        %run_scoped3A = tpu.sem_alloc : memref<!tpu.dma_semaphore, #tpu.memory_space<semaphore_mem>>
        %dma_start3A_26 = arith.constant 0 : i32
        %dma_start3A_27 = tpu.memref_slice %arg3[%add3A, %mul3A_13, %dma_start3A_26] : memref<32x80x128xi32, #tpu.memory_space<hbm>> -> memref<1x16x128xi32, #tpu.memory_space<hbm>>
        %dma_start3A_28 = tpu.memref_squeeze %dma_start3A_27 : memref<1x16x128xi32, #tpu.memory_space<hbm>> -> memref<16x128xi32, #tpu.memory_space<hbm>>
        %dma_start3A_29 = arith.constant 0 : i32
        %dma_start3A_30 = tpu.memref_slice %arg3[%add3A, %mul3A_13, %dma_start3A_29] : memref<32x80x128xi32, #tpu.memory_space<hbm>> -> memref<1x16x128xi32, #tpu.memory_space<hbm>>
        %dma_start3A_31 = tpu.memref_squeeze %dma_start3A_30 : memref<1x16x128xi32, #tpu.memory_space<hbm>> -> memref<16x128xi32, #tpu.memory_space<hbm>>
        tpu.enqueue_dma source(%dma_start3A_31 : memref<16x128xi32, #tpu.memory_space<hbm>>) target(%arg8 : memref<16x128xi32, #tpu.memory_space<vmem>>) target_semaphore(%run_scoped3A : memref<!tpu.dma_semaphore, #tpu.memory_space<semaphore_mem>>)
        %dma_wait3A = arith.constant 0 : i32
        %dma_wait3A_32 = tpu.memref_slice %arg3[%add3A, %mul3A_13, %dma_wait3A] : memref<32x80x128xi32, #tpu.memory_space<hbm>> -> memref<1x16x128xi32, #tpu.memory_space<hbm>>
        %dma_wait3A_33 = tpu.memref_squeeze %dma_wait3A_32 : memref<1x16x128xi32, #tpu.memory_space<hbm>> -> memref<16x128xi32, #tpu.memory_space<hbm>>
        %dma_wait3A_34 = arith.constant 0 : i32
        %dma_wait3A_35 = tpu.memref_slice %arg3[%add3A, %mul3A_13, %dma_wait3A_34] : memref<32x80x128xi32, #tpu.memory_space<hbm>> -> memref<1x16x128xi32, #tpu.memory_space<hbm>>
        %dma_wait3A_36 = tpu.memref_squeeze %dma_wait3A_35 : memref<1x16x128xi32, #tpu.memory_space<hbm>> -> memref<16x128xi32, #tpu.memory_space<hbm>>
        tpu.wait_dma2 semaphore(%run_scoped3A : memref<!tpu.dma_semaphore, #tpu.memory_space<semaphore_mem>>) src(%dma_wait3A_36 : memref<16x128xi32, #tpu.memory_space<hbm>>) dst(%arg8 : memref<16x128xi32, #tpu.memory_space<vmem>>)
        tpu.yield
      }) : () -> ()
      %dma_start3A = arith.constant 0 : i32
      %dma_start3A_14 = arith.constant 0 : i32
      %dma_start3A_15 = tpu.memref_slice %arg7[%dma_start3A, %dma_start3A_14] : memref<16x128xi32, #tpu.memory_space<vmem>> -> memref<1x128xi32, #tpu.memory_space<vmem>>
      %dma_start3A_16 = tpu.memref_squeeze %dma_start3A_15 : memref<1x128xi32, #tpu.memory_space<vmem>> -> memref<128xi32, #tpu.memory_space<vmem>>
      %dma_start3A_17 = arith.constant 0 : i32
      %dma_start3A_18 = arith.constant 0 : i32
      %dma_start3A_19 = tpu.memref_slice %arg4[%dma_start3A_17, %dma_start3A_18] : memref<10000x128xf32, #tpu.memory_space<hbm>> -> memref<10000x128xf32, #tpu.memory_space<hbm>>
      tpu.enqueue_indirect_dma source(%dma_start3A_19 : memref<10000x128xf32, #tpu.memory_space<hbm>>) target(%arg9 : memref<128x128xf32, #tpu.memory_space<vmem>>) offsets(%dma_start3A_16 : memref<128xi32, #tpu.memory_space<vmem>>) semaphore(%arg12 : memref<!tpu.dma_semaphore, #tpu.memory_space<semaphore_mem>>)
      %scan3A_20 = arith.constant 0 : i32
      %scan3A_21 = arith.constant 0 : i32
      %scan3A_22 = arith.constant 8 : i32
      %scan3A_23 = arith.addi %scan3A_21, %scan3A_22 : i32
      %scan3A_24 = arith.constant 1 : i32
      scf.for %scan3A_26 = %scan3A_21 to %scan3A_23 step %scan3A_24  : i32 {
        %mul3A_27 = arith.constant 2 : i32
        %mul3A_28 = arith.muli %mul3A_27, %scan3A_26 : i32
        %dma_wait3A = arith.constant 0 : i32
        %dma_wait3A_29 = tpu.memref_slice %arg7[%mul3A_28, %dma_wait3A] : memref<16x128xi32, #tpu.memory_space<vmem>> -> memref<1x128xi32, #tpu.memory_space<vmem>>
        %dma_wait3A_30 = tpu.memref_squeeze %dma_wait3A_29 : memref<1x128xi32, #tpu.memory_space<vmem>> -> memref<128xi32, #tpu.memory_space<vmem>>
        %dma_wait3A_31 = arith.constant 0 : i32
        %dma_wait3A_32 = arith.constant 0 : i32
        %dma_wait3A_33 = tpu.memref_slice %arg4[%dma_wait3A_31, %dma_wait3A_32] : memref<10000x128xf32, #tpu.memory_space<hbm>> -> memref<10000x128xf32, #tpu.memory_space<hbm>>
        tpu.wait_indirect_dma semaphore(%arg12 : memref<!tpu.dma_semaphore, #tpu.memory_space<semaphore_mem>>) src(%dma_wait3A_33 : memref<10000x128xf32, #tpu.memory_space<hbm>>) dst(%arg9 : memref<128x128xf32, #tpu.memory_space<vmem>>)
        %add3A_34 = arith.constant 1 : i32
        %add3A_35 = arith.addi %mul3A_28, %add3A_34 : i32
        %dma_start3A_36 = arith.constant 0 : i32
        %dma_start3A_37 = tpu.memref_slice %arg7[%add3A_35, %dma_start3A_36] : memref<16x128xi32, #tpu.memory_space<vmem>> -> memref<1x128xi32, #tpu.memory_space<vmem>>
        %dma_start3A_38 = tpu.memref_squeeze %dma_start3A_37 : memref<1x128xi32, #tpu.memory_space<vmem>> -> memref<128xi32, #tpu.memory_space<vmem>>
        %dma_start3A_39 = arith.constant 0 : i32
        %dma_start3A_40 = arith.constant 0 : i32
        %dma_start3A_41 = tpu.memref_slice %arg4[%dma_start3A_39, %dma_start3A_40] : memref<10000x128xf32, #tpu.memory_space<hbm>> -> memref<10000x128xf32, #tpu.memory_space<hbm>>
        tpu.enqueue_indirect_dma source(%dma_start3A_41 : memref<10000x128xf32, #tpu.memory_space<hbm>>) target(%arg10 : memref<128x128xf32, #tpu.memory_space<vmem>>) offsets(%dma_start3A_38 : memref<128xi32, #tpu.memory_space<vmem>>) semaphore(%arg13 : memref<!tpu.dma_semaphore, #tpu.memory_space<semaphore_mem>>)
        "tpu.region"() ({
          %run_scoped3A = tpu.sem_alloc : memref<!tpu.dma_semaphore, #tpu.memory_space<semaphore_mem>>
          %dma_start3A_56 = arith.constant 0 : i32
          %dma_start3A_57 = tpu.memref_slice %arg8[%mul3A_28, %dma_start3A_56] : memref<16x128xi32, #tpu.memory_space<vmem>> -> memref<1x128xi32, #tpu.memory_space<vmem>>
          %dma_start3A_58 = tpu.memref_squeeze %dma_start3A_57 : memref<1x128xi32, #tpu.memory_space<vmem>> -> memref<128xi32, #tpu.memory_space<vmem>>
          %dma_start3A_59 = arith.constant 0 : i32
          %dma_start3A_60 = arith.constant 0 : i32
          %dma_start3A_61 = tpu.memref_slice %arg11[%dma_start3A_59, %dma_start3A_60] : memref<10112x128xf32, #tpu.memory_space<vmem_shared>> -> memref<10112x128xf32, #tpu.memory_space<vmem_shared>>
          tpu.enqueue_indirect_dma source(%arg9 : memref<128x128xf32, #tpu.memory_space<vmem>>) target(%dma_start3A_61 : memref<10112x128xf32, #tpu.memory_space<vmem_shared>>) offsets(%dma_start3A_58 : memref<128xi32, #tpu.memory_space<vmem>>) semaphore(%run_scoped3A : memref<!tpu.dma_semaphore, #tpu.memory_space<semaphore_mem>>) {add = true}
          %dma_wait3A_62 = arith.constant 0 : i32
          %dma_wait3A_63 = tpu.memref_slice %arg8[%mul3A_28, %dma_wait3A_62] : memref<16x128xi32, #tpu.memory_space<vmem>> -> memref<1x128xi32, #tpu.memory_space<vmem>>
          %dma_wait3A_64 = tpu.memref_squeeze %dma_wait3A_63 : memref<1x128xi32, #tpu.memory_space<vmem>> -> memref<128xi32, #tpu.memory_space<vmem>>
          %dma_wait3A_65 = arith.constant 0 : i32
          %dma_wait3A_66 = arith.constant 0 : i32
          %dma_wait3A_67 = tpu.memref_slice %arg11[%dma_wait3A_65, %dma_wait3A_66] : memref<10112x128xf32, #tpu.memory_space<vmem_shared>> -> memref<10112x128xf32, #tpu.memory_space<vmem_shared>>
          tpu.wait_indirect_dma semaphore(%run_scoped3A : memref<!tpu.dma_semaphore, #tpu.memory_space<semaphore_mem>>) src(%arg9 : memref<128x128xf32, #tpu.memory_space<vmem>>) dst(%dma_wait3A_67 : memref<10112x128xf32, #tpu.memory_space<vmem_shared>>)
          tpu.yield
        }) : () -> ()
        %add3A_42 = arith.constant 1 : i32
        %add3A_43 = arith.addi %mul3A_28, %add3A_42 : i32
        %dma_wait3A_44 = arith.constant 0 : i32
        %dma_wait3A_45 = tpu.memref_slice %arg7[%add3A_43, %dma_wait3A_44] : memref<16x128xi32, #tpu.memory_space<vmem>> -> memref<1x128xi32, #tpu.memory_space<vmem>>
        %dma_wait3A_46 = tpu.memref_squeeze %dma_wait3A_45 : memref<1x128xi32, #tpu.memory_space<vmem>> -> memref<128xi32, #tpu.memory_space<vmem>>
        %dma_wait3A_47 = arith.constant 0 : i32
        %dma_wait3A_48 = arith.constant 0 : i32
        %dma_wait3A_49 = tpu.memref_slice %arg4[%dma_wait3A_47, %dma_wait3A_48] : memref<10000x128xf32, #tpu.memory_space<hbm>> -> memref<10000x128xf32, #tpu.memory_space<hbm>>
        tpu.wait_indirect_dma semaphore(%arg13 : memref<!tpu.dma_semaphore, #tpu.memory_space<semaphore_mem>>) src(%dma_wait3A_49 : memref<10000x128xf32, #tpu.memory_space<hbm>>) dst(%arg10 : memref<128x128xf32, #tpu.memory_space<vmem>>)
        %add3A_50 = arith.constant 1 : i32
        %add3A_51 = arith.addi %scan3A_26, %add3A_50 : i32
        %lt3A = arith.constant 8 : i32
        %lt3A_52 = arith.cmpi slt, %add3A_51, %lt3A : i32
        %convert_element_type3A = arith.extui %lt3A_52 : i1 to i32
        %cond3A = arith.constant 0 : i32
        %cond3A_53 = arith.cmpi ne, %convert_element_type3A, %cond3A : i32
        scf.if %cond3A_53 {
          %add3A_56 = arith.constant 2 : i32
          %add3A_57 = arith.addi %mul3A_28, %add3A_56 : i32
          %dma_start3A_58 = arith.constant 0 : i32
          %dma_start3A_59 = tpu.memref_slice %arg7[%add3A_57, %dma_start3A_58] : memref<16x128xi32, #tpu.memory_space<vmem>> -> memref<1x128xi32, #tpu.memory_space<vmem>>
          %dma_start3A_60 = tpu.memref_squeeze %dma_start3A_59 : memref<1x128xi32, #tpu.memory_space<vmem>> -> memref<128xi32, #tpu.memory_space<vmem>>
          %dma_start3A_61 = arith.constant 0 : i32
          %dma_start3A_62 = arith.constant 0 : i32
          %dma_start3A_63 = tpu.memref_slice %arg4[%dma_start3A_61, %dma_start3A_62] : memref<10000x128xf32, #tpu.memory_space<hbm>> -> memref<10000x128xf32, #tpu.memory_space<hbm>>
          tpu.enqueue_indirect_dma source(%dma_start3A_63 : memref<10000x128xf32, #tpu.memory_space<hbm>>) target(%arg9 : memref<128x128xf32, #tpu.memory_space<vmem>>) offsets(%dma_start3A_60 : memref<128xi32, #tpu.memory_space<vmem>>) semaphore(%arg12 : memref<!tpu.dma_semaphore, #tpu.memory_space<semaphore_mem>>)
        } else {
        }
        %add3A_54 = arith.constant 1 : i32
        %add3A_55 = arith.addi %mul3A_28, %add3A_54 : i32
        "tpu.region"() ({
          %run_scoped3A = tpu.sem_alloc : memref<!tpu.dma_semaphore, #tpu.memory_space<semaphore_mem>>
          %dma_start3A_56 = arith.constant 0 : i32
          %dma_start3A_57 = tpu.memref_slice %arg8[%add3A_55, %dma_start3A_56] : memref<16x128xi32, #tpu.memory_space<vmem>> -> memref<1x128xi32, #tpu.memory_space<vmem>>
          %dma_start3A_58 = tpu.memref_squeeze %dma_start3A_57 : memref<1x128xi32, #tpu.memory_space<vmem>> -> memref<128xi32, #tpu.memory_space<vmem>>
          %dma_start3A_59 = arith.constant 0 : i32
          %dma_start3A_60 = arith.constant 0 : i32
          %dma_start3A_61 = tpu.memref_slice %arg11[%dma_start3A_59, %dma_start3A_60] : memref<10112x128xf32, #tpu.memory_space<vmem_shared>> -> memref<10112x128xf32, #tpu.memory_space<vmem_shared>>
          tpu.enqueue_indirect_dma source(%arg10 : memref<128x128xf32, #tpu.memory_space<vmem>>) target(%dma_start3A_61 : memref<10112x128xf32, #tpu.memory_space<vmem_shared>>) offsets(%dma_start3A_58 : memref<128xi32, #tpu.memory_space<vmem>>) semaphore(%run_scoped3A : memref<!tpu.dma_semaphore, #tpu.memory_space<semaphore_mem>>) {add = true}
          %dma_wait3A_62 = arith.constant 0 : i32
          %dma_wait3A_63 = tpu.memref_slice %arg8[%add3A_55, %dma_wait3A_62] : memref<16x128xi32, #tpu.memory_space<vmem>> -> memref<1x128xi32, #tpu.memory_space<vmem>>
          %dma_wait3A_64 = tpu.memref_squeeze %dma_wait3A_63 : memref<1x128xi32, #tpu.memory_space<vmem>> -> memref<128xi32, #tpu.memory_space<vmem>>
          %dma_wait3A_65 = arith.constant 0 : i32
          %dma_wait3A_66 = arith.constant 0 : i32
          %dma_wait3A_67 = tpu.memref_slice %arg11[%dma_wait3A_65, %dma_wait3A_66] : memref<10112x128xf32, #tpu.memory_space<vmem_shared>> -> memref<10112x128xf32, #tpu.memory_space<vmem_shared>>
          tpu.wait_indirect_dma semaphore(%run_scoped3A : memref<!tpu.dma_semaphore, #tpu.memory_space<semaphore_mem>>) src(%arg10 : memref<128x128xf32, #tpu.memory_space<vmem>>) dst(%dma_wait3A_67 : memref<10112x128xf32, #tpu.memory_space<vmem_shared>>)
          tpu.yield
        }) : () -> ()
      }
      %scan3A_25 = arith.constant 8 : i32
    }
    %scan3A_7 = arith.constant 5 : i32
    %barrier3A_8 = arith.constant 0 : index
    tpu.barrier barrier_id(%barrier3A_8)
    "tpu.region"() ({
      %run_scoped3A = tpu.sem_alloc : memref<!tpu.dma_semaphore, #tpu.memory_space<semaphore_mem>>
      %dma_start3A = arith.constant 0 : i32
      %dma_start3A_9 = tpu.memref_slice %arg6[%arg0, %mul3A_2, %dma_start3A] : memref<2x10112x128xf32, #tpu.memory_space<hbm>> -> memref<1x632x128xf32, #tpu.memory_space<hbm>>
      %dma_start3A_10 = tpu.memref_squeeze %dma_start3A_9 : memref<1x632x128xf32, #tpu.memory_space<hbm>> -> memref<632x128xf32, #tpu.memory_space<hbm>>
      %dma_start3A_11 = arith.constant 0 : i32
      %dma_start3A_12 = tpu.memref_slice %arg11[%mul3A_2, %dma_start3A_11] : memref<10112x128xf32, #tpu.memory_space<vmem_shared>> -> memref<632x128xf32, #tpu.memory_space<vmem_shared>>
      tpu.enqueue_dma source(%dma_start3A_12 : memref<632x128xf32, #tpu.memory_space<vmem_shared>>) target(%dma_start3A_10 : memref<632x128xf32, #tpu.memory_space<hbm>>) target_semaphore(%run_scoped3A : memref<!tpu.dma_semaphore, #tpu.memory_space<semaphore_mem>>)
      %dma_wait3A = arith.constant 0 : i32
      %dma_wait3A_13 = tpu.memref_slice %arg6[%arg0, %mul3A_2, %dma_wait3A] : memref<2x10112x128xf32, #tpu.memory_space<hbm>> -> memref<1x632x128xf32, #tpu.memory_space<hbm>>
      %dma_wait3A_14 = tpu.memref_squeeze %dma_wait3A_13 : memref<1x632x128xf32, #tpu.memory_space<hbm>> -> memref<632x128xf32, #tpu.memory_space<hbm>>
      %dma_wait3A_15 = arith.constant 0 : i32
      %dma_wait3A_16 = tpu.memref_slice %arg11[%mul3A_2, %dma_wait3A_15] : memref<10112x128xf32, #tpu.memory_space<vmem_shared>> -> memref<632x128xf32, #tpu.memory_space<vmem_shared>>
      tpu.wait_dma2 semaphore(%run_scoped3A : memref<!tpu.dma_semaphore, #tpu.memory_space<semaphore_mem>>) src(%dma_wait3A_16 : memref<632x128xf32, #tpu.memory_space<vmem_shared>>) dst(%dma_wait3A_14 : memref<632x128xf32, #tpu.memory_space<hbm>>)
      tpu.yield
    }) : () -> ()
    return
  }
}

module attributes {stable_mosaic.version = 14 : i64} {
  func.func @_tc_a_body(%arg0: memref<10000x128xf32, #tpu.memory_space<vmem>>, %arg1: memref<128x128xf32, #tpu.memory_space<vmem>>, %arg2: memref<2x10112x128xf32, #tpu.memory_space<vmem>>, %arg3: memref<10000x128xf32, #tpu.memory_space<vmem>>) attributes {dimension_semantics = [], scalar_prefetch = 0 : i64, scratch_operands = 0 : i64, tpu.core_type = #tpu.core_type<tc>} {
    %get3A = arith.constant 0 : index
    %get3A_0 = arith.constant 0 : index
    %get3A_1 = arith.constant 0 : index
    %get3A_2 = vector.load %arg2[%get3A, %get3A_0, %get3A_1] : memref<2x10112x128xf32, #tpu.memory_space<vmem>>, vector<2x10112x128xf32>
    %slice3A = vector.extract_strided_slice %get3A_2 {offsets = [0, 0, 0], sizes = [1, 10000, 1], strides = [1, 1, 1]} : vector<2x10112x128xf32> to vector<1x10000x1xf32>
    %squeeze3A = vector.shape_cast %slice3A : vector<1x10000x1xf32> to vector<10000x1xf32>
    %slice3A_3 = vector.extract_strided_slice %get3A_2 {offsets = [1, 0, 0], sizes = [1, 10000, 1], strides = [1, 1, 1]} : vector<2x10112x128xf32> to vector<1x10000x1xf32>
    %squeeze3A_4 = vector.shape_cast %slice3A_3 : vector<1x10000x1xf32> to vector<10000x1xf32>
    %add3A = arith.addf %squeeze3A, %squeeze3A_4 : vector<10000x1xf32>
    %add3A_5 = arith.constant 1.000000e+00 : f32
    %add3A_6 = vector.broadcast %add3A_5 : f32 to vector<10000x1xf32>
    %add3A_7 = arith.addf %add3A, %add3A_6 : vector<10000x1xf32>
    %rsqrt3A = math.rsqrt %add3A_7 : vector<10000x1xf32>
    %get3A_8 = arith.constant 0 : index
    %get3A_9 = arith.constant 0 : index
    %get3A_10 = vector.load %arg0[%get3A_8, %get3A_9] : memref<10000x128xf32, #tpu.memory_space<vmem>>, vector<10000x128xf32>
    %get3A_11 = arith.constant 0 : index
    %get3A_12 = arith.constant 0 : index
    %get3A_13 = vector.load %arg1[%get3A_11, %get3A_12] : memref<128x128xf32, #tpu.memory_space<vmem>>, vector<128x128xf32>
    %dot_general3A = arith.constant dense<0.000000e+00> : vector<10000x128xf32>
    %dot_general3A_14 = tpu.matmul %get3A_10, %get3A_13, %dot_general3A {dimension_numbers = #tpu.dot_dimension_numbers<[1], [0], [0], [1], [0, 0, 1, 1], [], []>, transpose_lhs_hint = false} : vector<10000x128xf32>, vector<128x128xf32>, vector<10000x128xf32> -> vector<10000x128xf32>
    %mul3A = vector.broadcast %rsqrt3A : vector<10000x1xf32> to vector<10000x128xf32>
    %mul3A_15 = arith.mulf %mul3A, %dot_general3A_14 : vector<10000x128xf32>
    %swap3A = arith.constant 0 : index
    %swap3A_16 = arith.constant 0 : index
    %swap3A_17 = vector.load %arg3[%swap3A, %swap3A_16] : memref<10000x128xf32, #tpu.memory_space<vmem>>, vector<10000x128xf32>
    tpu.vector_store %arg3[%swap3A, %swap3A_16], %mul3A_15 {strides = array<i32>} : memref<10000x128xf32, #tpu.memory_space<vmem>>, vector<10000x128xf32>,
    return
  }
}

module attributes {stable_mosaic.version = 14 : i64} {
  func.func @_tc_b_body(%arg0: memref<2x10112x128xf32, #tpu.memory_space<vmem>>, %arg1: memref<2x10112x128xf32, #tpu.memory_space<vmem>>, %arg2: memref<10000x128xf32, #tpu.memory_space<vmem>>, %arg3: memref<1x128xf32, #tpu.memory_space<vmem>>, %arg4: memref<1x128xf32, #tpu.memory_space<vmem>>, %arg5: memref<1x128xf32, #tpu.memory_space<vmem>>, %arg6: memref<128x128xf32, #tpu.memory_space<vmem>>, %arg7: memref<10000x128xf32, #tpu.memory_space<vmem>>) attributes {dimension_semantics = [], scalar_prefetch = 0 : i64, scratch_operands = 0 : i64, tpu.core_type = #tpu.core_type<tc>} {
    %get3A = arith.constant 0 : index
    %get3A_0 = arith.constant 0 : index
    %get3A_1 = arith.constant 0 : index
    %get3A_2 = vector.load %arg0[%get3A, %get3A_0, %get3A_1] : memref<2x10112x128xf32, #tpu.memory_space<vmem>>, vector<2x10112x128xf32>
    %slice3A = vector.extract_strided_slice %get3A_2 {offsets = [0, 0, 0], sizes = [1, 10000, 1], strides = [1, 1, 1]} : vector<2x10112x128xf32> to vector<1x10000x1xf32>
    %squeeze3A = vector.shape_cast %slice3A : vector<1x10000x1xf32> to vector<10000x1xf32>
    %slice3A_3 = vector.extract_strided_slice %get3A_2 {offsets = [1, 0, 0], sizes = [1, 10000, 1], strides = [1, 1, 1]} : vector<2x10112x128xf32> to vector<1x10000x1xf32>
    %squeeze3A_4 = vector.shape_cast %slice3A_3 : vector<1x10000x1xf32> to vector<10000x1xf32>
    %add3A = arith.addf %squeeze3A, %squeeze3A_4 : vector<10000x1xf32>
    %add3A_5 = arith.constant 1.000000e+00 : f32
    %add3A_6 = vector.broadcast %add3A_5 : f32 to vector<10000x1xf32>
    %add3A_7 = arith.addf %add3A, %add3A_6 : vector<10000x1xf32>
    %rsqrt3A = math.rsqrt %add3A_7 : vector<10000x1xf32>
    %get3A_8 = arith.constant 0 : index
    %get3A_9 = arith.constant 0 : index
    %get3A_10 = arith.constant 0 : index
    %get3A_11 = vector.load %arg1[%get3A_8, %get3A_9, %get3A_10] : memref<2x10112x128xf32, #tpu.memory_space<vmem>>, vector<2x10112x128xf32>
    %slice3A_12 = vector.extract_strided_slice %get3A_11 {offsets = [0, 0, 0], sizes = [1, 10000, 128], strides = [1, 1, 1]} : vector<2x10112x128xf32> to vector<1x10000x128xf32>
    %squeeze3A_13 = vector.shape_cast %slice3A_12 : vector<1x10000x128xf32> to vector<10000x128xf32>
    %slice3A_14 = vector.extract_strided_slice %get3A_11 {offsets = [1, 0, 0], sizes = [1, 10000, 128], strides = [1, 1, 1]} : vector<2x10112x128xf32> to vector<1x10000x128xf32>
    %squeeze3A_15 = vector.shape_cast %slice3A_14 : vector<1x10000x128xf32> to vector<10000x128xf32>
    %add3A_16 = arith.addf %squeeze3A_13, %squeeze3A_15 : vector<10000x128xf32>
    %get3A_17 = arith.constant 0 : index
    %get3A_18 = arith.constant 0 : index
    %get3A_19 = vector.load %arg2[%get3A_17, %get3A_18] : memref<10000x128xf32, #tpu.memory_space<vmem>>, vector<10000x128xf32>
    %add3A_20 = arith.addf %add3A_16, %get3A_19 : vector<10000x128xf32>
    %mul3A = vector.broadcast %rsqrt3A : vector<10000x1xf32> to vector<10000x128xf32>
    %mul3A_21 = arith.mulf %mul3A, %add3A_20 : vector<10000x128xf32>
    %get3A_22 = arith.constant 0 : index
    %get3A_23 = arith.constant 0 : index
    %get3A_24 = vector.load %arg3[%get3A_22, %get3A_23] : memref<1x128xf32, #tpu.memory_space<vmem>>, vector<1x128xf32>
    %add3A_25 = vector.broadcast %get3A_24 : vector<1x128xf32> to vector<10000x128xf32>
    %add3A_26 = arith.addf %mul3A_21, %add3A_25 : vector<10000x128xf32>
    %reduce_sum3A = arith.constant dense<0.000000e+00> : vector<128xf32>
    %reduce_sum3A_27 = vector.multi_reduction <add>, %add3A_26, %reduce_sum3A [0] : vector<10000x128xf32> to vector<128xf32>
    %broadcast_in_dim3A = vector.shape_cast %reduce_sum3A_27 : vector<128xf32> to vector<1x128xf32>
    %div3A = arith.constant 1.000000e+04 : f32
    %div3A_28 = vector.broadcast %div3A : f32 to vector<1x128xf32>
    %div3A_29 = arith.divf %broadcast_in_dim3A, %div3A_28 : vector<1x128xf32>
    %sub3A = vector.broadcast %div3A_29 : vector<1x128xf32> to vector<10000x128xf32>
    %sub3A_30 = arith.subf %add3A_26, %sub3A : vector<10000x128xf32>
    %integer_pow3A = arith.mulf %sub3A_30, %sub3A_30 : vector<10000x128xf32>
    %reduce_sum3A_31 = arith.constant dense<0.000000e+00> : vector<128xf32>
    %reduce_sum3A_32 = vector.multi_reduction <add>, %integer_pow3A, %reduce_sum3A_31 [0] : vector<10000x128xf32> to vector<128xf32>
    %broadcast_in_dim3A_33 = vector.shape_cast %reduce_sum3A_32 : vector<128xf32> to vector<1x128xf32>
    %div3A_34 = arith.constant 1.000000e+04 : f32
    %div3A_35 = vector.broadcast %div3A_34 : f32 to vector<1x128xf32>
    %div3A_36 = arith.divf %broadcast_in_dim3A_33, %div3A_35 : vector<1x128xf32>
    %sub3A_37 = vector.broadcast %div3A_29 : vector<1x128xf32> to vector<10000x128xf32>
    %sub3A_38 = arith.subf %add3A_26, %sub3A_37 : vector<10000x128xf32>
    %add3A_39 = arith.constant 9.99999974E-6 : f32
    %add3A_40 = vector.broadcast %add3A_39 : f32 to vector<1x128xf32>
    %add3A_41 = arith.addf %div3A_36, %add3A_40 : vector<1x128xf32>
    %rsqrt3A_42 = math.rsqrt %add3A_41 : vector<1x128xf32>
    %mul3A_43 = vector.broadcast %rsqrt3A_42 : vector<1x128xf32> to vector<10000x128xf32>
    %mul3A_44 = arith.mulf %sub3A_38, %mul3A_43 : vector<10000x128xf32>
    %get3A_45 = arith.constant 0 : index
    %get3A_46 = arith.constant 0 : index
    %get3A_47 = vector.load %arg4[%get3A_45, %get3A_46] : memref<1x128xf32, #tpu.memory_space<vmem>>, vector<1x128xf32>
    %mul3A_48 = vector.broadcast %get3A_47 : vector<1x128xf32> to vector<10000x128xf32>
    %mul3A_49 = arith.mulf %mul3A_44, %mul3A_48 : vector<10000x128xf32>
    %get3A_50 = arith.constant 0 : index
    %get3A_51 = arith.constant 0 : index
    %get3A_52 = vector.load %arg5[%get3A_50, %get3A_51] : memref<1x128xf32, #tpu.memory_space<vmem>>, vector<1x128xf32>
    %add3A_53 = vector.broadcast %get3A_52 : vector<1x128xf32> to vector<10000x128xf32>
    %add3A_54 = arith.addf %mul3A_49, %add3A_53 : vector<10000x128xf32>
    %max3A = arith.constant 0.000000e+00 : f32
    %max3A_55 = vector.broadcast %max3A : f32 to vector<10000x128xf32>
    %max3A_56 = arith.maximumf %add3A_54, %max3A_55 : vector<10000x128xf32>
    %get3A_57 = arith.constant 0 : index
    %get3A_58 = arith.constant 0 : index
    %get3A_59 = vector.load %arg6[%get3A_57, %get3A_58] : memref<128x128xf32, #tpu.memory_space<vmem>>, vector<128x128xf32>
    %dot_general3A = arith.constant dense<0.000000e+00> : vector<10000x128xf32>
    %dot_general3A_60 = tpu.matmul %max3A_56, %get3A_59, %dot_general3A {dimension_numbers = #tpu.dot_dimension_numbers<[1], [0], [0], [1], [0, 0, 1, 1], [], []>, transpose_lhs_hint = false} : vector<10000x128xf32>, vector<128x128xf32>, vector<10000x128xf32> -> vector<10000x128xf32>
    %mul3A_61 = vector.broadcast %rsqrt3A : vector<10000x1xf32> to vector<10000x128xf32>
    %mul3A_62 = arith.mulf %mul3A_61, %dot_general3A_60 : vector<10000x128xf32>
    %swap3A = arith.constant 0 : index
    %swap3A_63 = arith.constant 0 : index
    %swap3A_64 = vector.load %arg7[%swap3A, %swap3A_63] : memref<10000x128xf32, #tpu.memory_space<vmem>>, vector<10000x128xf32>
    tpu.vector_store %arg7[%swap3A, %swap3A_63], %mul3A_62 {strides = array<i32>} : memref<10000x128xf32, #tpu.memory_space<vmem>>, vector<10000x128xf32>,
    return
  }
}

module attributes {stable_mosaic.version = 14 : i64} {
  func.func @_tc_c_body(%arg0: memref<2x10112x128xf32, #tpu.memory_space<vmem>>, %arg1: memref<2x10112x128xf32, #tpu.memory_space<vmem>>, %arg2: memref<10000x128xf32, #tpu.memory_space<vmem>>, %arg3: memref<1x128xf32, #tpu.memory_space<vmem>>, %arg4: memref<10000x128xf32, #tpu.memory_space<vmem>>) attributes {dimension_semantics = [], scalar_prefetch = 0 : i64, scratch_operands = 0 : i64, tpu.core_type = #tpu.core_type<tc>} {
    %get3A = arith.constant 0 : index
    %get3A_0 = arith.constant 0 : index
    %get3A_1 = arith.constant 0 : index
    %get3A_2 = vector.load %arg0[%get3A, %get3A_0, %get3A_1] : memref<2x10112x128xf32, #tpu.memory_space<vmem>>, vector<2x10112x128xf32>
    %slice3A = vector.extract_strided_slice %get3A_2 {offsets = [0, 0, 0], sizes = [1, 10000, 1], strides = [1, 1, 1]} : vector<2x10112x128xf32> to vector<1x10000x1xf32>
    %squeeze3A = vector.shape_cast %slice3A : vector<1x10000x1xf32> to vector<10000x1xf32>
    %slice3A_3 = vector.extract_strided_slice %get3A_2 {offsets = [1, 0, 0], sizes = [1, 10000, 1], strides = [1, 1, 1]} : vector<2x10112x128xf32> to vector<1x10000x1xf32>
    %squeeze3A_4 = vector.shape_cast %slice3A_3 : vector<1x10000x1xf32> to vector<10000x1xf32>
    %add3A = arith.addf %squeeze3A, %squeeze3A_4 : vector<10000x1xf32>
    %add3A_5 = arith.constant 1.000000e+00 : f32
    %add3A_6 = vector.broadcast %add3A_5 : f32 to vector<10000x1xf32>
    %add3A_7 = arith.addf %add3A, %add3A_6 : vector<10000x1xf32>
    %rsqrt3A = math.rsqrt %add3A_7 : vector<10000x1xf32>
    %get3A_8 = arith.constant 0 : index
    %get3A_9 = arith.constant 0 : index
    %get3A_10 = arith.constant 0 : index
    %get3A_11 = vector.load %arg1[%get3A_8, %get3A_9, %get3A_10] : memref<2x10112x128xf32, #tpu.memory_space<vmem>>, vector<2x10112x128xf32>
    %slice3A_12 = vector.extract_strided_slice %get3A_11 {offsets = [0, 0, 0], sizes = [1, 10000, 128], strides = [1, 1, 1]} : vector<2x10112x128xf32> to vector<1x10000x128xf32>
    %squeeze3A_13 = vector.shape_cast %slice3A_12 : vector<1x10000x128xf32> to vector<10000x128xf32>
    %slice3A_14 = vector.extract_strided_slice %get3A_11 {offsets = [1, 0, 0], sizes = [1, 10000, 128], strides = [1, 1, 1]} : vector<2x10112x128xf32> to vector<1x10000x128xf32>
    %squeeze3A_15 = vector.shape_cast %slice3A_14 : vector<1x10000x128xf32> to vector<10000x128xf32>
    %add3A_16 = arith.addf %squeeze3A_13, %squeeze3A_15 : vector<10000x128xf32>
    %get3A_17 = arith.constant 0 : index
    %get3A_18 = arith.constant 0 : index
    %get3A_19 = vector.load %arg2[%get3A_17, %get3A_18] : memref<10000x128xf32, #tpu.memory_space<vmem>>, vector<10000x128xf32>
    %add3A_20 = arith.addf %add3A_16, %get3A_19 : vector<10000x128xf32>
    %mul3A = vector.broadcast %rsqrt3A : vector<10000x1xf32> to vector<10000x128xf32>
    %mul3A_21 = arith.mulf %mul3A, %add3A_20 : vector<10000x128xf32>
    %get3A_22 = arith.constant 0 : index
    %get3A_23 = arith.constant 0 : index
    %get3A_24 = vector.load %arg3[%get3A_22, %get3A_23] : memref<1x128xf32, #tpu.memory_space<vmem>>, vector<1x128xf32>
    %add3A_25 = vector.broadcast %get3A_24 : vector<1x128xf32> to vector<10000x128xf32>
    %add3A_26 = arith.addf %mul3A_21, %add3A_25 : vector<10000x128xf32>
    %swap3A = arith.constant 0 : index
    %swap3A_27 = arith.constant 0 : index
    %swap3A_28 = vector.load %arg4[%swap3A, %swap3A_27] : memref<10000x128xf32, #tpu.memory_space<vmem>>, vector<10000x128xf32>
    tpu.vector_store %arg4[%swap3A, %swap3A_27], %add3A_26 {strides = array<i32>} : memref<10000x128xf32, #tpu.memory_space<vmem>>, vector<10000x128xf32>,
    return
  }
}

</mosaic_0001>

<sc_bundles>
// kernel: kernel.11.cloned.1.call-start
scs
__scs_entry_jumppad:
0x0: {  	(pc) =	sbr.rel $0x88, $3  }
0x1: {  	(tag) =	ssettag $0x0;
	lr =	simm.s32 $0x1  }
0x2: {  	[smem:$0x3F99] =	sst lr;
	_ =	strace $0xD0000000  }
0x3: {  	_ = 	snop  }
0x4: {  	_ = 	snop  }
0x5: {  	_ = 	snop  }
0x6: {  	_ = 	snop  }
0x7: {  	_ = 	snop  }
__scs_overlays_trampoline_lowered:
0x8: {  	[smem:$0x3FA8] =	sst s0  }
0x9: {  	[smem:$0x3FA9] =	sst s1  }
0xa: {  	[smem:$0x3FAA] =	sst s2  }
0xb: {  	[smem:$0x3FAB] =	sst s3  }
0xc: {  	[smem:$0x3FAC] =	sst s4  }
0xd: {  	[smem:$0x3FAD] =	sst s5  }
0xe: {  	[smem:$0x3FAE] =	sst s6  }
0xf: {  	[smem:$0x3FAF] =	sst s7  }
0x10: {  	[smem:$0x3FB0] =	sst s8  }
0x11: {  	[smem:$0x3FB1] =	sst s9;
	s0 =	simm.s32 @!p0 $0x0  }
0x12: {  	s1 =	sld [smem:$0x3F97];
	s0 =	simm.s32 @p0 $0x1  }
0x13: {  	[smem:$0x3FB2] =	sst s0;
	s0 =	simm.s32 @!p1 $0x0  }
0x14: {  	s2 =	sld [smem:$0x3F96];
	s0 =	simm.s32 @p1 $0x1  }
0x15: {  	[smem:$0x3FB3] =	sst s0;
	s0 =	simm.s32 @!p2 $0x0  }
0x16: {  	s3 =	sld [smem:$0x3FDB];
	s0 =	simm.s32 @p2 $0x1  }
0x17: {  	s4 =	simm.s32 $0x1BF5;
	[smem:$0x3FB5] =	sst s0  }
0x18: {  	s0 =	sld [smem:$0x3F98];
	_ =	swait.ge [sflag:s4], $0x0  }
0x19: {  	s7 =	sld [smem:$0x3F99]  }
0x1a: {  	s8 =	sadd.s32 $0xFFFFE003, lr  }
0x1b: {  	s9 =	sadd.s32 $0xFFFFFEF7, lr;
	s5 =	simm.s32 $0xFFFFFFFF;
	p2 =	slt.u32 s8, $0xFFFFF086  }
0x1c: {  	p1 =	slt.u32 s9, $0xF7A;
	s5 =	simm.s32 @!p2 $0x0  }
0x1d: {  	s5 =	simm.s32 @p1 $0x1;
	p0 =	seq.s32 s7, s2  }
0x1e: {  	s7 =	smul.u32 @!p0 $0xF7A, s2;
	p2 =	seq.s32 @!p0 s5, $0x0  }
0x1f: {  	s9 =	smul.u32 $0xF7A, s1;
	s8 =	simm.s32 @!p0 $0x1BF5;
	p2 =	por !p2, p0  }
0x20: {  	[sflag:s8] =	ssyncset.s32 @!p0 $0xFFFFF086;
	s6 =	sadd.s32 @!p0 s3, s7;
	s7 =	simm.s32 @!p0 $0x108  }
0x21: {  	s3 =	sadd.s32 s3, s9;
	s6 =	sadd.s32 @!p0 $0x88, s6;
	s7 =	simm.s32 @p2 $0x1082  }
0x22: {  	[simem:s7], [sflag:s8] =	dma.local @!p0 [hbm:s6], $0xF7A  }
0x23: {  	s9 =	sor.u32 $0xD0000000, s2;
	s6 =	simm.s32 $0x108;
	_ =	swait.ge @!p0 [sflag:s8], $0x0  }
0x24: {  	s3 =	sadd.s32 $0x88, s3;
	s6 =	simm.s32 @!p1 $0x1082;
	[sflag:s4] =	ssyncset.s32 $0xFFFFF086  }
0x25: {  	[simem:s6], [sflag:s4] =	dma.local [hbm:s3], $0xF7A  }
0x26: {  	[smem:$0x3F99] =	sst s1;
	(tag) =	ssettag s2;
	_ =	strace s9  }
0x27: {  	s1 =	sld [smem:$0x3FA9]  }
0x28: {  	s2 =	sld [smem:$0x3FAA]  }
0x29: {  	s4 =	sld [smem:$0x3FAC]  }
0x2a: {  	p0 =	seq.s32 s5, $0x0;
	s5 =	sld [smem:$0x3FAD]  }
0x2b: {  	s6 =	sld [smem:$0x3FAE]  }
0x2c: {  	s7 =	sld [smem:$0x3FAF]  }
0x2d: {  	s3 =	simm.s32 $0x108;
	s8 =	sld [smem:$0x3FB0]  }
0x2e: {  	s3 =	simm.s32 @!p0 $0x1082;
	s9 =	sld [smem:$0x3FB1]  }
0x2f: {  	lr =	sadd.s32 s0, s3;
	s0 =	sld [smem:$0x3FA8]  }
0x30: {  	s3 =	sld [smem:$0x3FAB]  }
0x31: {  	[smem:$0x3FB4] =	sst s10  }
0x32: {  	s10 =	sld [smem:$0x3FB2];
	_ =	sdelay $0x3  }
0x33: {  	p0 =	seq.s32 s10, $0x1;
	s10 =	sld [smem:$0x3FB4];
	_ =	sdelay $0x3  }
0x34: {  	[smem:$0x3FB4] =	sst s10  }
0x35: {  	s10 =	sld [smem:$0x3FB3];
	_ =	sdelay $0x3  }
0x36: {  	p1 =	seq.s32 s10, $0x1;
	s10 =	sld [smem:$0x3FB4];
	_ =	sdelay $0x3  }
0x37: {  	[smem:$0x3FB4] =	sst s10  }
0x38: {  	s10 =	sld [smem:$0x3FB5]  }
0x39: {  	_ = 	snop;
	(pc) =	sbr.ind lr, $3  }
0x3a: {  	_ = 	snop  }
0x3b: {  	_ = 	snop  }
0x3c: {  	p2 =	seq.s32 s10, $0x1;
	s10 =	sld [smem:$0x3FB4]  }
0x3d: {  	_ =	shalt  }
0x3e: {  	_ =	shalt  }
0x3f: {  	_ =	shalt  }
0x40: {  	_ =	shalt  }
0x41: {  	_ =	shalt  }
0x42: {  	_ =	shalt  }
0x43: {  	_ =	shalt  }
0x44: {  	_ =	shalt  }
0x45: {  	_ =	shalt  }
0x46: {  	_ =	shalt  }
0x47: {  	_ =	shalt  }
0x48: {  	_ =	shalt  }
0x49: {  	_ =	shalt  }
0x4a: {  	_ =	shalt  }
0x4b: {  	_ =	shalt  }
0x4c: {  	_ =	shalt  }
0x4d: {  	_ =	shalt  }
0x4e: {  	_ =	shalt  }
0x4f: {  	_ =	shalt  }
0x50: {  	_ =	shalt  }
0x51: {  	_ =	shalt  }
0x52: {  	_ =	shalt  }
0x53: {  	_ =	shalt  }
0x54: {  	_ =	shalt  }
0x55: {  	_ =	shalt  }
0x56: {  	_ =	shalt  }
0x57: {  	_ =	shalt  }
0x58: {  	_ =	shalt  }
0x59: {  	_ =	shalt  }
0x5a: {  	_ =	shalt  }
0x5b: {  	_ =	shalt  }
0x5c: {  	_ =	shalt  }
0x5d: {  	_ =	shalt  }
0x5e: {  	_ =	shalt  }
0x5f: {  	_ =	shalt  }
0x60: {  	_ =	shalt  }
0x61: {  	_ =	shalt  }
0x62: {  	_ =	shalt  }
0x63: {  	_ =	shalt  }
0x64: {  	_ =	shalt  }
0x65: {  	_ =	shalt  }
0x66: {  	_ =	shalt  }
0x67: {  	_ =	shalt  }
0x68: {  	_ =	shalt  }
0x69: {  	_ =	shalt  }
0x6a: {  	_ =	shalt  }
0x6b: {  	_ =	shalt  }
0x6c: {  	_ =	shalt  }
0x6d: {  	_ =	shalt  }
0x6e: {  	_ =	shalt  }
0x6f: {  	_ =	shalt  }
0x70: {  	_ =	shalt  }
0x71: {  	_ =	shalt  }
0x72: {  	_ =	shalt  }
0x73: {  	_ =	shalt  }
0x74: {  	_ =	shalt  }
0x75: {  	_ =	shalt  }
0x76: {  	_ =	shalt  }
0x77: {  	_ =	shalt  }
0x78: {  	_ =	shalt  }
0x79: {  	_ =	shalt  }
0x7a: {  	_ =	shalt  }
0x7b: {  	_ =	shalt  }
0x7c: {  	_ =	shalt  }
0x7d: {  	_ =	shalt  }
0x7e: {  	_ =	shalt  }
0x7f: {  	_ =	shalt  }
0x80: {  	_ =	shalt  }
0x81: {  	_ =	shalt  }
0x82: {  	_ =	shalt  }
0x83: {  	_ =	shalt  }
0x84: {  	_ =	shalt  }
0x85: {  	_ =	shalt  }
0x86: {  	_ =	shalt  }
0x87: {  	_ =	shalt  }
.Lfunc_end0:
.L_simem_size_0:
called_computation.1_lowered:
.L_overlay_start_0:
0x88: {  	s2 =	sld [smem:$0x3FD9]  }
0x89: {  	s3 =	sld [smem:$0x3FFE];
	_ =	sdelay $0x1  }
0x8a: {  	s1 =	srdreg.scid  }
0x8b: {  	s0 =	sand.u32 $0x1, s1  }
0x8c: {  	s17 =	sshll.u32 s0, $0xA;
	s2 =	sadd.s32 s3, s2  }
0x8d: {  	s2 =	sadd.s32 s2, s17  }
0x8e: {  	[smem:$0x3FC0] =	sst s2  }
0x8f: {  	_ = 	snop  }
0x90: {  	s2 =	sld [smem:$0x3FD0];
	(tm) =	ssettm $0x1  }
0x91: {  	s18 =	sld [smem:$0x3FFB];
	_ =	sdelay $0x3  }
0x92: {  	_ =	strace s18  }
0x93: {  	s3 =	sld [smem:$0x3FFC];
	_ =	sdelay $0x3  }
0x94: {  	_ =	strace s3  }
0x95: {  	s3 =	sld [smem:$0x3FFD];
	_ =	sdelay $0x3  }
0x96: {  	_ =	strace s3  }
0x97: {  	_ =	strace $0x8FFFFFFF  }
0x98: {  	s19 =	sld [smem:$0x3FDB];
	_ =	sdelay $0x1  }
0x99: {  	s4 =	simm.s32 $_scs_section_size  }
0x9a: {  	s5 =	simm.s32 $_size__tile_overlayer_lowered;
	s6 =	simm.s32 $_tile_overlayer_lowered  }
0x9b: {  	s22 =	simm.s32 $0x1BFF;
	s21 =	sshll.u32 s6, $0x1;
	s3 =	sadd.s32 s4, s19  }
0x9c: {  	s7 =	simm.s32 $0x0;
	s20 =	sshll.u32 s5, $0x1;
	s5 =	sadd.s32 s21, s3  }
0x9d: {  	[timem:s7], [sflag:s22] =	dma.local [hbm:s5], s20  }
0x9e: {  	_ =	swait.ge [sflag:s22], s20  }
0x9f: {  	s4 =	ssub.s32 $0x0, s20;
	[sflag:s22] =	ssyncset.done $0x0  }
0xa0: {  	[sflag:s22] =	ssyncadd.s32 s4;
	_ =	sdelay $0x1  }
0xa1: {  	s23 =	simm.s32 $0x1B8B  }
0xa2: {  	_ =	swait.ge [sflag:s23], $0x1  }
0xa3: {  	[sflag:s23] =	ssyncset.done $0x0  }
0xa4: {  	s25 =	simm.s32 $0x1B8E;
	s24 =	sld [smem:$0x3FFE];
	[sflag:s23] =	ssyncadd.s32 $0xFFFFFFFF  }
0xa5: {  	s26 =	simm.s32 $execute0_lowered;
	[smem:$0x3FD2] =	sst s25  }
0xa6: {  	s5 =	sshll.u32 s26, $0x1;
	_ =	strace $0x80000049;
	[dreg:$0x1] =	wrdreg $0xFFFFFFFF  }
0xa7: {  	s28 =	simm.s32 $_size_execute0_lowered;
	s3 =	sadd.s32 s3, s5;
	[dreg:$0x0] =	wrdreg $0x0  }
0xa8: {  	s5 =	sshll.u32 s28, $0x1;
	[dreg:$0x2] =	wrdreg s3  }
0xa9: {  	[dreg:$0x3] =	wrdreg s5  }
0xaa: {  	[dreg:$0x4] =	wrdreg $0xC0  }
0xab: {  	_ =	task [dreg:s7], $0x5FFFF  }
0xac: {  	[dreg:$0x1] =	wrdreg $0xFFFFFFFF  }
0xad: {  	[dreg:$0x0] =	wrdreg $0x60  }
0xae: {  	[dreg:$0x2] =	wrdreg s24  }
0xaf: {  	[dreg:$0x3] =	wrdreg s2  }
0xb0: {  	[dreg:$0x4] =	wrdreg $0x90000  }
0xb1: {  	[dreg:$0x5] =	wrdreg $0x9  }
0xb2: {  	_ =	task.clear_ibuf [dreg:s7], $0x6FFFF;
	_ =	strace $0x90000049  }
0xb3: {  	s29 =	simm.s32 $0x9;
	_ =	strace $0x8000004B  }
0xb4: {  	_ =	swait.ge [sflag:s29], $0x1  }
0xb5: {  	[sflag:s29] =	ssyncadd.s32 $0xFFFFFFFF  }
0xb6: {  	_ =	strace $0x9000004B  }
0xb7: {  	_ =	sfence  }
0xb8: {  	s30 =	sld [smem:$0x0];
	_ =	sdelay $0x2  }
0xb9: {  	s31 =	sshll.u32 s1, $0xD;
	s1 =	sshrl.u32 s1, $0x2  }
0xba: {  	s3 =	sand.u32 $0x4000, s31;
	s1 =	sadd.s32 s1, s30  }
0xbb: {  	s0 =	sor.u32 s3, s0;
	s1 =	sshll.u32 s1, $0x11  }
0xbc: {  	s0 =	sor.u32 s1, s0  }
0xbd: {  	s0 =	sadd.s32 $0x8F2B, s0  }
0xbe: {  	[sflag:s0] =	ssyncadd.remote.s32 $0x1  }
0xbf: {  	_ =	sfence.sel $0xFFFF  }
0xc0: {  	[dreg:$0x0] =	wrdreg $0xFFFFFFFF;
	(pc) =	sbr.abs _section_cstart, $3  }
0xc1: {  	[dreg:$0x1] =	wrdreg $0xFFFFFFFF  }
0xc2: {  	_ =	task.clear_ibuf [dreg:s7], $0x2FFFF;
	_ =	strace $0x9FFFFFFF  }
0xc3: {  	(tm) =	ssettm $0x7FFFFFFF  }
tec
execute0_lowered:
.L_overlay_start_1:
0x0: {  	(tag) =	ssettag $0x1  }
0x1: {  	s0 =	rddreg [dreg:$0x0]  }
0x2: {  	s1 =	srdreg.scid;
	s5 =	rddreg [dreg:$0x1]  }
0x3: {  	s12 =	stileid.u32;
	s2 =	rddreg [dreg:$0x2]  }
0x4: {  	s3 =	simm.s32 $0x0;
	s13 =	simm.s32 $0x100;
	s15 =	simm.s32 $0x880  }
0x5: {  	s17 =	simm.s32 $0x180;
	s18 =	simm.s32 $0x900;
	s19 =	simm.s32 $0x200  }
0x6: {  	s20 =	simm.s32 $0x980;
	s21 =	simm.s32 $0x280;
	[smem:$0x7FF] =	sst s3  }
0x7: {  	s22 =	simm.s32 $0xA00;
	_ =	strace $0x8000004A;
	[dreg:$0x6] =	wrdreg s13  }
0x8: {  	s23 =	simm.s32 $0x300;
	s24 =	simm.s32 $0xA80;
	[dreg:$0x7] =	wrdreg s15  }
0x9: {  	s28 =	simm.s32 $0x680;
	s29 =	simm.s32 $0xE00;
	[dreg:$0x8] =	wrdreg s17  }
0xa: {  	s30 =	simm.s32 $0x700;
	s6 =	smul.u32 $0x2800, s12;
	[dreg:$0x9] =	wrdreg s18  }
0xb: {  	s31 =	simm.s32 $0xE80;
	s25 =	smul.u32 $0x13C00, s12;
	[dreg:$0xa] =	wrdreg s19  }
0xc: {  	s1 =	sand.u32 $0x1, s1;
	s11 =	smul.u32 $0x4F000, s12;
	[dreg:$0xb] =	wrdreg s20  }
0xd: {  	s16 =	sshll.u32 s12, $0x6;
	s4 =	smul.u32 $0x28000, s1;
	[dreg:$0xc] =	wrdreg s21  }
0xe: {  	s12 =	simm.s32 $0x80;
	s8 =	smul.u32 $0x13C000, s1;
	[dreg:$0xd] =	wrdreg s22  }
0xf: {  	s1 =	ssub.s32 $0x2, s1;
	[dreg:$0xe] =	wrdreg s23;
	s13 =	simm.s32 $0x1000  }
0x10: {  	[dreg:$0xf] =	wrdreg s24;
	s15 =	simm.s32 $0x5000;
	s17 =	simm.s32 $0x400  }
0x11: {  	s18 =	simm.s32 $0xB80;
	s19 =	simm.s32 $0x480;
	s20 =	simm.s32 $0xC00  }
0x12: {  	s21 =	simm.s32 $0x500;
	s22 =	simm.s32 $0xC80;
	s23 =	simm.s32 $0x580  }
0x13: {  	s24 =	simm.s32 $0xD00;
	s10 =	sshrl.u32 s25, $0x3;
	s26 =	sshrl.u32 s1, $0x1  }
0x14: {  	s4 =	sadd.s32 s6, s4;
	s10 =	sadd.s32 s10, s0;
	s6 =	sadd.s32 s25, s8  }
0x15: {  	s1 =	ssub.s32 s1, s26;
	s8 =	sshrl.u32 s11, $0x2;
	s25 =	simm.s32 $0x380  }
0x16: {  	s26 =	simm.s32 $0xB00;
	s7 =	sshrl.u32 s4, $0x3;
	s4 =	sadd.s32 $0x34200, s0  }
0x17: {  	s6 =	sshrl.u32 s6, $0x3;
	s14 =	sadd.s32 $0xCA00, s10;
	[dreg:$0x10] =	wrdreg s25  }
0x18: {  	s1 =	smax.u32 s1, $0x1;
	s10 =	simm.s32 $0x3;
	[dreg:$0x11] =	wrdreg s26  }
0x19: {  	s25 =	simm.s32 $0x600;
	s26 =	simm.s32 $0xD80;
	s9 =	sadd.s32 s7, s0  }
0x1a: {  	s0 =	sadd.s32 s6, s0;
	s5 =	sadd.s32 s7, s5;
	[dreg:$0x12] =	wrdreg s14  }
0x1b: {  	s6 =	sadd.s32 s8, s2;
	s7 =	sor.u32 $0x1C03, s16;
	[dreg:$0x15] =	wrdreg s1  }
0x1c: {  	s14 =	simm.s32 $0x1;
	s16 =	simm.s32 $0x2;
	[dreg:$0x4] =	wrdreg s5  }
0x1d: {  	s1 =	simm.s32 $0x780;
	s11 =	sadd.s32 $0x2A00, s9;
	[dreg:$0x13] =	wrdreg s7  }
0x1e: {  	s0 =	sadd.s32 $0x5B400, s0;
	s8 =	sshrl.u32 s6, $0x3;
	[dreg:$0x5] =	wrdreg s11  }
0x1f: {  	s5 =	simm.s32 $0xF80;
	s9 =	simm.s32 $0x0;
	[dreg:$0x14] =	wrdreg s0  }
0x20: {  	s11 =	simm.s32 $0x800;
	s0 =	simm.s32 $0xF00;
	[dreg:$0x16] =	wrdreg s8  }
.LBB2_1:
0x21: {  	[dreg:$0x17] =	wrdreg s9  }
0x22: {  	s6 =	rddreg [dreg:$0x12]  }
0x23: {  	[spmem:s8], [sflag:s7] =	dma.local [hbm:s6], $0x2780  }
0x24: {  	_ =	swait.ge [sflag:s10], $0x2780  }
0x25: {  	[sflag:s10] =	ssyncset.done $0x0  }
0x26: {  	[sflag:s10] =	ssyncadd.s32 $0xFFFFD880  }
0x27: {  	[bflag:$0x0] =	sbarrier.arrive $0xFFFF  }
0x28: {  	s7 =	rddreg [dreg:$0x5]  }
0x29: {  	s6 =	sadd.s32 $0x0, s7  }
0x2a: {  	[tilespmem:s3], [sflag:$0x3] =	stream.linear.gather [hbm4b:s6+s3], $0x800, $0x38;
	[tilespmem:$0x1CC00] =	vst v63  }
0x2b: {  	_ =	swait.ge [sflag:s10], $0x800  }
0x2c: {  	s8 =	rddreg [dreg:$0x4];
	[sflag:s10] =	ssyncset.done $0x0  }
0x2d: {  	[sflag:s10] =	ssyncadd.s32 $0xFFFFF800;
	s6 =	sadd.s32 $0x0, s8  }
0x2e: {  	[tilespmem:s11], [sflag:$0x3] =	stream.linear.gather [hbm4b:s6+s3], $0x800, $0x38;
	[tilespmem:$0x1CC00] =	vst v63  }
0x2f: {  	_ =	swait.ge [sflag:s10], $0x800  }
0x30: {  	[sflag:s10] =	ssyncset.done $0x0  }
0x31: {  	[sflag:s10] =	ssyncadd.s32 $0xFFFFF800  }
0x32: {  	[tilespmem:s13], [sflag:$0x1] =	stream.indirect.gather [hbm4b:s4+s12], $0x80, s3, s12, $0xb8;
	[tilespmem:$0x1CC00] =	vst v63  }
0x33: {  	_ =	swait.ge [sflag:s14], $0x4000  }
0x34: {  	[sflag:s14] =	ssyncset.done $0x0  }
0x35: {  	[sflag:s14] =	ssyncadd.s32 $0xFFFFC000  }
0x36: {  	[tilespmem:s15], [sflag:$0x2] =	stream.indirect.gather [hbm4b:s4+s12], $0x80, s12, s12, $0xb8;
	[tilespmem:$0x1CC00] =	vst v63  }
0x37: {  	_ = 	snop  }
0x38: {  	[spmem:s2] =	stream.indirect.scatter.add.f32 [tilespmem:s13], [sflag:$0x3], $0x80, s11, s12, $0xb8;
	[tilespmem:$0x1CC00] =	vst v63  }
0x39: {  	_ =	swait.ge [sflag:s10], $0x4000  }
0x3a: {  	[sflag:s10] =	ssyncset.done $0x0  }
0x3b: {  	[sflag:s10] =	ssyncadd.s32 $0xFFFFC000  }
0x3c: {  	_ =	swait.ge [sflag:s16], $0x4000  }
0x3d: {  	[sflag:s16] =	ssyncset.done $0x0  }
0x3e: {  	s9 =	rddreg [dreg:$0x6];
	[sflag:s16] =	ssyncadd.s32 $0xFFFFC000  }
0x3f: {  	[tilespmem:s13], [sflag:$0x1] =	stream.indirect.gather [hbm4b:s4+s12], $0x80, s9, s12, $0xb8;
	[tilespmem:$0x1CC00] =	vst v63  }
0x40: {  	s7 =	rddreg [dreg:$0x7]  }
0x41: {  	[spmem:s2] =	stream.indirect.scatter.add.f32 [tilespmem:s15], [sflag:$0x3], $0x80, s7, s12, $0xb8;
	[tilespmem:$0x1CC00] =	vst v63  }
0x42: {  	_ =	swait.ge [sflag:s10], $0x4000  }
0x43: {  	[sflag:s10] =	ssyncset.done $0x0  }
0x44: {  	[sflag:s10] =	ssyncadd.s32 $0xFFFFC000  }
0x45: {  	_ =	swait.ge [sflag:s14], $0x4000  }
0x46: {  	[sflag:s14] =	ssyncset.done $0x0  }
0x47: {  	s9 =	rddreg [dreg:$0x8];
	[sflag:s14] =	ssyncadd.s32 $0xFFFFC000  }
0x48: {  	[tilespmem:s15], [sflag:$0x2] =	stream.indirect.gather [hbm4b:s4+s12], $0x80, s9, s12, $0xb8;
	[tilespmem:$0x1CC00] =	vst v63  }
0x49: {  	s7 =	rddreg [dreg:$0x9]  }
0x4a: {  	[spmem:s2] =	stream.indirect.scatter.add.f32 [tilespmem:s13], [sflag:$0x3], $0x80, s7, s12, $0xb8;
	[tilespmem:$0x1CC00] =	vst v63  }
0x4b: {  	_ =	swait.ge [sflag:s10], $0x4000  }
0x4c: {  	[sflag:s10] =	ssyncset.done $0x0  }
0x4d: {  	[sflag:s10] =	ssyncadd.s32 $0xFFFFC000  }
0x4e: {  	_ =	swait.ge [sflag:s16], $0x4000  }
0x4f: {  	[sflag:s16] =	ssyncset.done $0x0  }
0x50: {  	s9 =	rddreg [dreg:$0xa];
	[sflag:s16] =	ssyncadd.s32 $0xFFFFC000  }
0x51: {  	[tilespmem:s13], [sflag:$0x1] =	stream.indirect.gather [hbm4b:s4+s12], $0x80, s9, s12, $0xb8;
	[tilespmem:$0x1CC00] =	vst v63  }
0x52: {  	s7 =	rddreg [dreg:$0xb]  }
0x53: {  	[spmem:s2] =	stream.indirect.scatter.add.f32 [tilespmem:s15], [sflag:$0x3], $0x80, s7, s12, $0xb8;
	[tilespmem:$0x1CC00] =	vst v63  }
0x54: {  	_ =	swait.ge [sflag:s10], $0x4000  }
0x55: {  	[sflag:s10] =	ssyncset.done $0x0  }
0x56: {  	[sflag:s10] =	ssyncadd.s32 $0xFFFFC000  }
0x57: {  	_ =	swait.ge [sflag:s14], $0x4000  }
0x58: {  	[sflag:s14] =	ssyncset.done $0x0  }
0x59: {  	s9 =	rddreg [dreg:$0xc];
	[sflag:s14] =	ssyncadd.s32 $0xFFFFC000  }
0x5a: {  	[tilespmem:s15], [sflag:$0x2] =	stream.indirect.gather [hbm4b:s4+s12], $0x80, s9, s12, $0xb8;
	[tilespmem:$0x1CC00] =	vst v63  }
0x5b: {  	s7 =	rddreg [dreg:$0xd]  }
0x5c: {  	[spmem:s2] =	stream.indirect.scatter.add.f32 [tilespmem:s13], [sflag:$0x3], $0x80, s7, s12, $0xb8;
	[tilespmem:$0x1CC00] =	vst v63  }
0x5d: {  	_ =	swait.ge [sflag:s10], $0x4000  }
0x5e: {  	[sflag:s10] =	ssyncset.done $0x0  }
0x5f: {  	[sflag:s10] =	ssyncadd.s32 $0xFFFFC000  }
0x60: {  	_ =	swait.ge [sflag:s16], $0x4000  }
0x61: {  	[sflag:s16] =	ssyncset.done $0x0  }
0x62: {  	s9 =	rddreg [dreg:$0xe];
	[sflag:s16] =	ssyncadd.s32 $0xFFFFC000  }
0x63: {  	[tilespmem:s13], [sflag:$0x1] =	stream.indirect.gather [hbm4b:s4+s12], $0x80, s9, s12, $0xb8;
	[tilespmem:$0x1CC00] =	vst v63  }
0x64: {  	s7 =	rddreg [dreg:$0xf]  }
0x65: {  	[spmem:s2] =	stream.indirect.scatter.add.f32 [tilespmem:s15], [sflag:$0x3], $0x80, s7, s12, $0xb8;
	[tilespmem:$0x1CC00] =	vst v63  }
0x66: {  	_ =	swait.ge [sflag:s10], $0x4000  }
0x67: {  	[sflag:s10] =	ssyncset.done $0x0  }
0x68: {  	[sflag:s10] =	ssyncadd.s32 $0xFFFFC000  }
0x69: {  	_ =	swait.ge [sflag:s14], $0x4000  }
0x6a: {  	[sflag:s14] =	ssyncset.done $0x0  }
0x6b: {  	s8 =	rddreg [dreg:$0x10];
	[sflag:s14] =	ssyncadd.s32 $0xFFFFC000  }
0x6c: {  	[tilespmem:s15], [sflag:$0x2] =	stream.indirect.gather [hbm4b:s4+s12], $0x80, s8, s12, $0xb8;
	[tilespmem:$0x1CC00] =	vst v63  }
0x6d: {  	s9 =	rddreg [dreg:$0x11]  }
0x6e: {  	[spmem:s2] =	stream.indirect.scatter.add.f32 [tilespmem:s13], [sflag:$0x3], $0x80, s9, s12, $0xb8;
	[tilespmem:$0x1CC00] =	vst v63  }
0x6f: {  	_ =	swait.ge [sflag:s10], $0x4000  }
0x70: {  	[sflag:s10] =	ssyncset.done $0x0  }
0x71: {  	[sflag:s10] =	ssyncadd.s32 $0xFFFFC000  }
0x72: {  	_ =	swait.ge [sflag:s16], $0x4000  }
0x73: {  	[sflag:s16] =	ssyncset.done $0x0  }
0x74: {  	[sflag:s16] =	ssyncadd.s32 $0xFFFFC000  }
0x75: {  	[tilespmem:s13], [sflag:$0x1] =	stream.indirect.gather [hbm4b:s4+s12], $0x80, s17, s12, $0xb8;
	[tilespmem:$0x1CC00] =	vst v63  }
0x76: {  	_ = 	snop  }
0x77: {  	[spmem:s2] =	stream.indirect.scatter.add.f32 [tilespmem:s15], [sflag:$0x3], $0x80, s18, s12, $0xb8;
	[tilespmem:$0x1CC00] =	vst v63  }
0x78: {  	_ =	swait.ge [sflag:s10], $0x4000  }
0x79: {  	[sflag:s10] =	ssyncset.done $0x0  }
0x7a: {  	[sflag:s10] =	ssyncadd.s32 $0xFFFFC000  }
0x7b: {  	_ =	swait.ge [sflag:s14], $0x4000  }
0x7c: {  	[sflag:s14] =	ssyncset.done $0x0  }
0x7d: {  	[sflag:s14] =	ssyncadd.s32 $0xFFFFC000  }
0x7e: {  	[tilespmem:s15], [sflag:$0x2] =	stream.indirect.gather [hbm4b:s4+s12], $0x80, s19, s12, $0xb8;
	[tilespmem:$0x1CC00] =	vst v63  }
0x7f: {  	_ = 	snop  }
0x80: {  	[spmem:s2] =	stream.indirect.scatter.add.f32 [tilespmem:s13], [sflag:$0x3], $0x80, s20, s12, $0xb8;
	[tilespmem:$0x1CC00] =	vst v63  }
0x81: {  	_ =	swait.ge [sflag:s10], $0x4000  }
0x82: {  	[sflag:s10] =	ssyncset.done $0x0  }
0x83: {  	[sflag:s10] =	ssyncadd.s32 $0xFFFFC000  }
0x84: {  	_ =	swait.ge [sflag:s16], $0x4000  }
0x85: {  	[sflag:s16] =	ssyncset.done $0x0  }
0x86: {  	[sflag:s16] =	ssyncadd.s32 $0xFFFFC000  }
0x87: {  	[tilespmem:s13], [sflag:$0x1] =	stream.indirect.gather [hbm4b:s4+s12], $0x80, s21, s12, $0xb8;
	[tilespmem:$0x1CC00] =	vst v63  }
0x88: {  	_ = 	snop  }
0x89: {  	[spmem:s2] =	stream.indirect.scatter.add.f32 [tilespmem:s15], [sflag:$0x3], $0x80, s22, s12, $0xb8;
	[tilespmem:$0x1CC00] =	vst v63  }
0x8a: {  	_ =	swait.ge [sflag:s10], $0x4000  }
0x8b: {  	[sflag:s10] =	ssyncset.done $0x0  }
0x8c: {  	[sflag:s10] =	ssyncadd.s32 $0xFFFFC000  }
0x8d: {  	_ =	swait.ge [sflag:s14], $0x4000  }
0x8e: {  	[sflag:s14] =	ssyncset.done $0x0  }
0x8f: {  	[sflag:s14] =	ssyncadd.s32 $0xFFFFC000  }
0x90: {  	[tilespmem:s15], [sflag:$0x2] =	stream.indirect.gather [hbm4b:s4+s12], $0x80, s23, s12, $0xb8;
	[tilespmem:$0x1CC00] =	vst v63  }
0x91: {  	_ = 	snop  }
0x92: {  	[spmem:s2] =	stream.indirect.scatter.add.f32 [tilespmem:s13], [sflag:$0x3], $0x80, s24, s12, $0xb8;
	[tilespmem:$0x1CC00] =	vst v63  }
0x93: {  	_ =	swait.ge [sflag:s10], $0x4000  }
0x94: {  	[sflag:s10] =	ssyncset.done $0x0  }
0x95: {  	[sflag:s10] =	ssyncadd.s32 $0xFFFFC000  }
0x96: {  	_ =	swait.ge [sflag:s16], $0x4000  }
0x97: {  	[sflag:s16] =	ssyncset.done $0x0  }
0x98: {  	[sflag:s16] =	ssyncadd.s32 $0xFFFFC000  }
0x99: {  	[tilespmem:s13], [sflag:$0x1] =	stream.indirect.gather [hbm4b:s4+s12], $0x80, s25, s12, $0xb8;
	[tilespmem:$0x1CC00] =	vst v63  }
0x9a: {  	_ = 	snop  }
0x9b: {  	[spmem:s2] =	stream.indirect.scatter.add.f32 [tilespmem:s15], [sflag:$0x3], $0x80, s26, s12, $0xb8;
	[tilespmem:$0x1CC00] =	vst v63  }
0x9c: {  	_ =	swait.ge [sflag:s10], $0x4000  }
0x9d: {  	[sflag:s10] =	ssyncset.done $0x0  }
0x9e: {  	[sflag:s10] =	ssyncadd.s32 $0xFFFFC000  }
0x9f: {  	_ =	swait.ge [sflag:s14], $0x4000  }
0xa0: {  	[sflag:s14] =	ssyncset.done $0x0  }
0xa1: {  	[sflag:s14] =	ssyncadd.s32 $0xFFFFC000  }
0xa2: {  	[tilespmem:s15], [sflag:$0x2] =	stream.indirect.gather [hbm4b:s4+s12], $0x80, s28, s12, $0xb8;
	[tilespmem:$0x1CC00] =	vst v63  }
0xa3: {  	_ = 	snop  }
0xa4: {  	[spmem:s2] =	stream.indirect.scatter.add.f32 [tilespmem:s13], [sflag:$0x3], $0x80, s29, s12, $0xb8;
	[tilespmem:$0x1CC00] =	vst v63  }
0xa5: {  	_ =	swait.ge [sflag:s10], $0x4000  }
0xa6: {  	[sflag:s10] =	ssyncset.done $0x0  }
0xa7: {  	[sflag:s10] =	ssyncadd.s32 $0xFFFFC000  }
0xa8: {  	_ =	swait.ge [sflag:s16], $0x4000  }
0xa9: {  	[sflag:s16] =	ssyncset.done $0x0  }
0xaa: {  	[sflag:s16] =	ssyncadd.s32 $0xFFFFC000  }
0xab: {  	[tilespmem:s13], [sflag:$0x1] =	stream.indirect.gather [hbm4b:s4+s12], $0x80, s30, s12, $0xb8;
	[tilespmem:$0x1CC00] =	vst v63  }
0xac: {  	_ = 	snop  }
0xad: {  	[spmem:s2] =	stream.indirect.scatter.add.f32 [tilespmem:s15], [sflag:$0x3], $0x80, s31, s12, $0xb8;
	[tilespmem:$0x1CC00] =	vst v63  }
0xae: {  	_ =	swait.ge [sflag:s10], $0x4000  }
0xaf: {  	[sflag:s10] =	ssyncset.done $0x0  }
0xb0: {  	[sflag:s10] =	ssyncadd.s32 $0xFFFFC000  }
0xb1: {  	_ =	swait.ge [sflag:s14], $0x4000  }
0xb2: {  	[sflag:s14] =	ssyncset.done $0x0  }
0xb3: {  	[sflag:s14] =	ssyncadd.s32 $0xFFFFC000  }
0xb4: {  	[tilespmem:s15], [sflag:$0x2] =	stream.indirect.gather [hbm4b:s4+s12], $0x80, s1, s12, $0xb8;
	[tilespmem:$0x1CC00] =	vst v63  }
0xb5: {  	_ = 	snop  }
0xb6: {  	[spmem:s2] =	stream.indirect.scatter.add.f32 [tilespmem:s13], [sflag:$0x3], $0x80, s0, s12, $0xb8;
	[tilespmem:$0x1CC00] =	vst v63  }
0xb7: {  	_ =	swait.ge [sflag:s10], $0x4000  }
0xb8: {  	[sflag:s10] =	ssyncset.done $0x0  }
0xb9: {  	[sflag:s10] =	ssyncadd.s32 $0xFFFFC000  }
0xba: {  	_ =	swait.ge [sflag:s16], $0x4000  }
0xbb: {  	[sflag:s16] =	ssyncset.done $0x0  }
0xbc: {  	[sflag:s16] =	ssyncadd.s32 $0xFFFFC000  }
0xbd: {  	[spmem:s2] =	stream.indirect.scatter.add.f32 [tilespmem:s15], [sflag:$0x3], $0x80, s5, s12, $0xb8;
	[tilespmem:$0x1CC00] =	vst v63  }
0xbe: {  	s6 =	simm.s32 $0x200;
	_ =	swait.ge [sflag:s10], $0x4000  }
0xbf: {  	s8 =	simm.s32 $0x100;
	s9 =	rddreg [dreg:$0x5];
	[sflag:s10] =	ssyncset.done $0x0  }
.LBB2_2:
0xc0: {  	[sflag:s10] =	ssyncadd.s32 $0xFFFFC000;
	s9 =	sadd.s32 s8, s9  }
0xc1: {  	[tilespmem:s3], [sflag:$0x3] =	stream.linear.gather [hbm4b:s9+s3], $0x800, $0x38;
	[tilespmem:$0x1CC00] =	vst v63  }
0xc2: {  	_ =	swait.ge [sflag:s10], $0x800  }
0xc3: {  	s9 =	rddreg [dreg:$0x4];
	[sflag:s10] =	ssyncset.done $0x0  }
0xc4: {  	[sflag:s10] =	ssyncadd.s32 $0xFFFFF800;
	s9 =	sadd.s32 s8, s9  }
0xc5: {  	[tilespmem:s11], [sflag:$0x3] =	stream.linear.gather [hbm4b:s9+s3], $0x800, $0x38;
	[tilespmem:$0x1CC00] =	vst v63  }
0xc6: {  	_ =	swait.ge [sflag:s10], $0x800  }
0xc7: {  	[sflag:s10] =	ssyncset.done $0x0  }
0xc8: {  	[sflag:s10] =	ssyncadd.s32 $0xFFFFF800  }
0xc9: {  	[tilespmem:s13], [sflag:$0x1] =	stream.indirect.gather [hbm4b:s4+s12], $0x80, s3, s12, $0xb8;
	[tilespmem:$0x1CC00] =	vst v63  }
0xca: {  	_ =	swait.ge [sflag:s14], $0x4000  }
0xcb: {  	[sflag:s14] =	ssyncset.done $0x0  }
0xcc: {  	[sflag:s14] =	ssyncadd.s32 $0xFFFFC000  }
0xcd: {  	[tilespmem:s15], [sflag:$0x2] =	stream.indirect.gather [hbm4b:s4+s12], $0x80, s12, s12, $0xb8;
	[tilespmem:$0x1CC00] =	vst v63  }
0xce: {  	_ = 	snop  }
0xcf: {  	[spmem:s2] =	stream.indirect.scatter.add.f32 [tilespmem:s13], [sflag:$0x3], $0x80, s11, s12, $0xb8;
	[tilespmem:$0x1CC00] =	vst v63  }
0xd0: {  	_ =	swait.ge [sflag:s10], $0x4000  }
0xd1: {  	[sflag:s10] =	ssyncset.done $0x0  }
0xd2: {  	[sflag:s10] =	ssyncadd.s32 $0xFFFFC000  }
0xd3: {  	_ =	swait.ge [sflag:s16], $0x4000  }
0xd4: {  	s7 =	smov.u32 s6;
	[sflag:s16] =	ssyncset.done $0x0  }
0xd5: {  	s8 =	smov.u32 s7;
	s7 =	rddreg [dreg:$0x6];
	[sflag:s16] =	ssyncadd.s32 $0xFFFFC000  }
0xd6: {  	[tilespmem:s13], [sflag:$0x1] =	stream.indirect.gather [hbm4b:s4+s12], $0x80, s7, s12, $0xb8;
	[tilespmem:$0x1CC00] =	vst v63  }
0xd7: {  	s9 =	rddreg [dreg:$0x7]  }
0xd8: {  	[spmem:s2] =	stream.indirect.scatter.add.f32 [tilespmem:s15], [sflag:$0x3], $0x80, s9, s12, $0xb8;
	[tilespmem:$0x1CC00] =	vst v63  }
0xd9: {  	_ =	swait.ge [sflag:s10], $0x4000  }
0xda: {  	[sflag:s10] =	ssyncset.done $0x0  }
0xdb: {  	[sflag:s10] =	ssyncadd.s32 $0xFFFFC000  }
0xdc: {  	_ =	swait.ge [sflag:s14], $0x4000  }
0xdd: {  	[sflag:s14] =	ssyncset.done $0x0  }
0xde: {  	s7 =	rddreg [dreg:$0x8];
	[sflag:s14] =	ssyncadd.s32 $0xFFFFC000  }
0xdf: {  	[tilespmem:s15], [sflag:$0x2] =	stream.indirect.gather [hbm4b:s4+s12], $0x80, s7, s12, $0xb8;
	[tilespmem:$0x1CC00] =	vst v63  }
0xe0: {  	s9 =	rddreg [dreg:$0x9]  }
0xe1: {  	[spmem:s2] =	stream.indirect.scatter.add.f32 [tilespmem:s13], [sflag:$0x3], $0x80, s9, s12, $0xb8;
	[tilespmem:$0x1CC00] =	vst v63  }
0xe2: {  	_ =	swait.ge [sflag:s10], $0x4000  }
0xe3: {  	[sflag:s10] =	ssyncset.done $0x0  }
0xe4: {  	[sflag:s10] =	ssyncadd.s32 $0xFFFFC000  }
0xe5: {  	_ =	swait.ge [sflag:s16], $0x4000  }
0xe6: {  	[sflag:s16] =	ssyncset.done $0x0  }
0xe7: {  	s7 =	rddreg [dreg:$0xa];
	[sflag:s16] =	ssyncadd.s32 $0xFFFFC000  }
0xe8: {  	[tilespmem:s13], [sflag:$0x1] =	stream.indirect.gather [hbm4b:s4+s12], $0x80, s7, s12, $0xb8;
	[tilespmem:$0x1CC00] =	vst v63  }
0xe9: {  	s9 =	rddreg [dreg:$0xb]  }
0xea: {  	[spmem:s2] =	stream.indirect.scatter.add.f32 [tilespmem:s15], [sflag:$0x3], $0x80, s9, s12, $0xb8;
	[tilespmem:$0x1CC00] =	vst v63  }
0xeb: {  	_ =	swait.ge [sflag:s10], $0x4000  }
0xec: {  	[sflag:s10] =	ssyncset.done $0x0  }
0xed: {  	[sflag:s10] =	ssyncadd.s32 $0xFFFFC000  }
0xee: {  	_ =	swait.ge [sflag:s14], $0x4000  }
0xef: {  	[sflag:s14] =	ssyncset.done $0x0  }
0xf0: {  	s7 =	rddreg [dreg:$0xc];
	[sflag:s14] =	ssyncadd.s32 $0xFFFFC000  }
0xf1: {  	[tilespmem:s15], [sflag:$0x2] =	stream.indirect.gather [hbm4b:s4+s12], $0x80, s7, s12, $0xb8;
	[tilespmem:$0x1CC00] =	vst v63  }
0xf2: {  	s9 =	rddreg [dreg:$0xd]  }
0xf3: {  	[spmem:s2] =	stream.indirect.scatter.add.f32 [tilespmem:s13], [sflag:$0x3], $0x80, s9, s12, $0xb8;
	[tilespmem:$0x1CC00] =	vst v63  }
0xf4: {  	_ =	swait.ge [sflag:s10], $0x4000  }
0xf5: {  	[sflag:s10] =	ssyncset.done $0x0  }
0xf6: {  	[sflag:s10] =	ssyncadd.s32 $0xFFFFC000  }
0xf7: {  	_ =	swait.ge [sflag:s16], $0x4000  }
0xf8: {  	[sflag:s16] =	ssyncset.done $0x0  }
0xf9: {  	s7 =	rddreg [dreg:$0xe];
	[sflag:s16] =	ssyncadd.s32 $0xFFFFC000  }
0xfa: {  	[tilespmem:s13], [sflag:$0x1] =	stream.indirect.gather [hbm4b:s4+s12], $0x80, s7, s12, $0xb8;
	[tilespmem:$0x1CC00] =	vst v63  }
0xfb: {  	s9 =	rddreg [dreg:$0xf]  }
0xfc: {  	[spmem:s2] =	stream.indirect.scatter.add.f32 [tilespmem:s15], [sflag:$0x3], $0x80, s9, s12, $0xb8;
	[tilespmem:$0x1CC00] =	vst v63  }
0xfd: {  	_ =	swait.ge [sflag:s10], $0x4000  }
0xfe: {  	[sflag:s10] =	ssyncset.done $0x0  }
0xff: {  	[sflag:s10] =	ssyncadd.s32 $0xFFFFC000  }
0x100: {  	_ =	swait.ge [sflag:s14], $0x4000  }
0x101: {  	[sflag:s14] =	ssyncset.done $0x0  }
0x102: {  	s7 =	rddreg [dreg:$0x10];
	[sflag:s14] =	ssyncadd.s32 $0xFFFFC000  }
0x103: {  	[tilespmem:s15], [sflag:$0x2] =	stream.indirect.gather [hbm4b:s4+s12], $0x80, s7, s12, $0xb8;
	[tilespmem:$0x1CC00] =	vst v63  }
0x104: {  	s9 =	rddreg [dreg:$0x11]  }
0x105: {  	[spmem:s2] =	stream.indirect.scatter.add.f32 [tilespmem:s13], [sflag:$0x3], $0x80, s9, s12, $0xb8;
	[tilespmem:$0x1CC00] =	vst v63  }
0x106: {  	_ =	swait.ge [sflag:s10], $0x4000  }
0x107: {  	[sflag:s10] =	ssyncset.done $0x0  }
0x108: {  	[sflag:s10] =	ssyncadd.s32 $0xFFFFC000  }
0x109: {  	_ =	swait.ge [sflag:s16], $0x4000  }
0x10a: {  	[sflag:s16] =	ssyncset.done $0x0  }
0x10b: {  	[sflag:s16] =	ssyncadd.s32 $0xFFFFC000  }
0x10c: {  	[tilespmem:s13], [sflag:$0x1] =	stream.indirect.gather [hbm4b:s4+s12], $0x80, s17, s12, $0xb8;
	[tilespmem:$0x1CC00] =	vst v63  }
0x10d: {  	_ = 	snop  }
0x10e: {  	[spmem:s2] =	stream.indirect.scatter.add.f32 [tilespmem:s15], [sflag:$0x3], $0x80, s18, s12, $0xb8;
	[tilespmem:$0x1CC00] =	vst v63  }
0x10f: {  	_ =	swait.ge [sflag:s10], $0x4000  }
0x110: {  	[sflag:s10] =	ssyncset.done $0x0  }
0x111: {  	[sflag:s10] =	ssyncadd.s32 $0xFFFFC000  }
0x112: {  	_ =	swait.ge [sflag:s14], $0x4000  }
0x113: {  	[sflag:s14] =	ssyncset.done $0x0  }
0x114: {  	[sflag:s14] =	ssyncadd.s32 $0xFFFFC000  }
0x115: {  	[tilespmem:s15], [sflag:$0x2] =	stream.indirect.gather [hbm4b:s4+s12], $0x80, s19, s12, $0xb8;
	[tilespmem:$0x1CC00] =	vst v63  }
0x116: {  	_ = 	snop  }
0x117: {  	[spmem:s2] =	stream.indirect.scatter.add.f32 [tilespmem:s13], [sflag:$0x3], $0x80, s20, s12, $0xb8;
	[tilespmem:$0x1CC00] =	vst v63  }
0x118: {  	_ =	swait.ge [sflag:s10], $0x4000  }
0x119: {  	[sflag:s10] =	ssyncset.done $0x0  }
0x11a: {  	[sflag:s10] =	ssyncadd.s32 $0xFFFFC000  }
0x11b: {  	_ =	swait.ge [sflag:s16], $0x4000  }
0x11c: {  	[sflag:s16] =	ssyncset.done $0x0  }
0x11d: {  	[sflag:s16] =	ssyncadd.s32 $0xFFFFC000  }
0x11e: {  	[tilespmem:s13], [sflag:$0x1] =	stream.indirect.gather [hbm4b:s4+s12], $0x80, s21, s12, $0xb8;
	[tilespmem:$0x1CC00] =	vst v63  }
0x11f: {  	_ = 	snop  }
0x120: {  	[spmem:s2] =	stream.indirect.scatter.add.f32 [tilespmem:s15], [sflag:$0x3], $0x80, s22, s12, $0xb8;
	[tilespmem:$0x1CC00] =	vst v63  }
0x121: {  	_ =	swait.ge [sflag:s10], $0x4000  }
0x122: {  	[sflag:s10] =	ssyncset.done $0x0  }
0x123: {  	[sflag:s10] =	ssyncadd.s32 $0xFFFFC000  }
0x124: {  	_ =	swait.ge [sflag:s14], $0x4000  }
0x125: {  	[sflag:s14] =	ssyncset.done $0x0  }
0x126: {  	[sflag:s14] =	ssyncadd.s32 $0xFFFFC000  }
0x127: {  	[tilespmem:s15], [sflag:$0x2] =	stream.indirect.gather [hbm4b:s4+s12], $0x80, s23, s12, $0xb8;
	[tilespmem:$0x1CC00] =	vst v63  }
0x128: {  	_ = 	snop  }
0x129: {  	[spmem:s2] =	stream.indirect.scatter.add.f32 [tilespmem:s13], [sflag:$0x3], $0x80, s24, s12, $0xb8;
	[tilespmem:$0x1CC00] =	vst v63  }
0x12a: {  	_ =	swait.ge [sflag:s10], $0x4000  }
0x12b: {  	[sflag:s10] =	ssyncset.done $0x0  }
0x12c: {  	[sflag:s10] =	ssyncadd.s32 $0xFFFFC000  }
0x12d: {  	_ =	swait.ge [sflag:s16], $0x4000  }
0x12e: {  	[sflag:s16] =	ssyncset.done $0x0  }
0x12f: {  	[sflag:s16] =	ssyncadd.s32 $0xFFFFC000  }
0x130: {  	[tilespmem:s13], [sflag:$0x1] =	stream.indirect.gather [hbm4b:s4+s12], $0x80, s25, s12, $0xb8;
	[tilespmem:$0x1CC00] =	vst v63  }
0x131: {  	_ = 	snop  }
0x132: {  	[spmem:s2] =	stream.indirect.scatter.add.f32 [tilespmem:s15], [sflag:$0x3], $0x80, s26, s12, $0xb8;
	[tilespmem:$0x1CC00] =	vst v63  }
0x133: {  	_ =	swait.ge [sflag:s10], $0x4000  }
0x134: {  	[sflag:s10] =	ssyncset.done $0x0  }
0x135: {  	[sflag:s10] =	ssyncadd.s32 $0xFFFFC000  }
0x136: {  	_ =	swait.ge [sflag:s14], $0x4000  }
0x137: {  	[sflag:s14] =	ssyncset.done $0x0  }
0x138: {  	[sflag:s14] =	ssyncadd.s32 $0xFFFFC000  }
0x139: {  	[tilespmem:s15], [sflag:$0x2] =	stream.indirect.gather [hbm4b:s4+s12], $0x80, s28, s12, $0xb8;
	[tilespmem:$0x1CC00] =	vst v63  }
0x13a: {  	_ = 	snop  }
0x13b: {  	[spmem:s2] =	stream.indirect.scatter.add.f32 [tilespmem:s13], [sflag:$0x3], $0x80, s29, s12, $0xb8;
	[tilespmem:$0x1CC00] =	vst v63  }
0x13c: {  	_ =	swait.ge [sflag:s10], $0x4000  }
0x13d: {  	[sflag:s10] =	ssyncset.done $0x0  }
0x13e: {  	[sflag:s10] =	ssyncadd.s32 $0xFFFFC000  }
0x13f: {  	_ =	swait.ge [sflag:s16], $0x4000  }
0x140: {  	[sflag:s16] =	ssyncset.done $0x0  }
0x141: {  	[sflag:s16] =	ssyncadd.s32 $0xFFFFC000  }
0x142: {  	[tilespmem:s13], [sflag:$0x1] =	stream.indirect.gather [hbm4b:s4+s12], $0x80, s30, s12, $0xb8;
	[tilespmem:$0x1CC00] =	vst v63  }
0x143: {  	_ = 	snop  }
0x144: {  	[spmem:s2] =	stream.indirect.scatter.add.f32 [tilespmem:s15], [sflag:$0x3], $0x80, s31, s12, $0xb8;
	[tilespmem:$0x1CC00] =	vst v63  }
0x145: {  	_ =	swait.ge [sflag:s10], $0x4000  }
0x146: {  	[sflag:s10] =	ssyncset.done $0x0  }
0x147: {  	[sflag:s10] =	ssyncadd.s32 $0xFFFFC000  }
0x148: {  	_ =	swait.ge [sflag:s14], $0x4000  }
0x149: {  	[sflag:s14] =	ssyncset.done $0x0  }
0x14a: {  	[sflag:s14] =	ssyncadd.s32 $0xFFFFC000  }
0x14b: {  	[tilespmem:s15], [sflag:$0x2] =	stream.indirect.gather [hbm4b:s4+s12], $0x80, s1, s12, $0xb8;
	[tilespmem:$0x1CC00] =	vst v63  }
0x14c: {  	_ = 	snop  }
0x14d: {  	[spmem:s2] =	stream.indirect.scatter.add.f32 [tilespmem:s13], [sflag:$0x3], $0x80, s0, s12, $0xb8;
	[tilespmem:$0x1CC00] =	vst v63  }
0x14e: {  	_ =	swait.ge [sflag:s10], $0x4000  }
0x14f: {  	[sflag:s10] =	ssyncset.done $0x0  }
0x150: {  	[sflag:s10] =	ssyncadd.s32 $0xFFFFC000  }
0x151: {  	p0 =	sne.s32 s6, $0x400;
	_ =	swait.ge [sflag:s16], $0x4000  }
.Ltmp0:
0x152: {  	[sflag:s16] =	ssyncset.done $0x0;
	(pc) =	sbr.rel @p0 .LBB2_2-.Ltmp0, $4  }
0x153: {  	[sflag:s16] =	ssyncadd.s32 $0xFFFFC000  }
0x154: {  	[spmem:s2] =	stream.indirect.scatter.add.f32 [tilespmem:s15], [sflag:$0x3], $0x80, s5, s12, $0xb8;
	[tilespmem:$0x1CC00] =	vst v63  }
0x155: {  	_ =	swait.ge [sflag:s10], $0x4000  }
0x156: {  	s6 =	sadd.s32 $0x100, s6;
	s9 =	rddreg [dreg:$0x5];
	[sflag:s10] =	ssyncset.done $0x0  }
0x157: {  	[sflag:s10] =	ssyncadd.s32 $0xFFFFC000;
	s6 =	sadd.s32 s8, s9  }
0x158: {  	[tilespmem:s3], [sflag:$0x3] =	stream.linear.gather [hbm4b:s6+s3], $0x800, $0x38;
	[tilespmem:$0x1CC00] =	vst v63  }
0x159: {  	_ =	swait.ge [sflag:s10], $0x800  }
0x15a: {  	s7 =	rddreg [dreg:$0x4];
	[sflag:s10] =	ssyncset.done $0x0  }
0x15b: {  	[sflag:s10] =	ssyncadd.s32 $0xFFFFF800;
	s6 =	sadd.s32 s8, s7  }
0x15c: {  	[tilespmem:s11], [sflag:$0x3] =	stream.linear.gather [hbm4b:s6+s3], $0x800, $0x38;
	[tilespmem:$0x1CC00] =	vst v63  }
0x15d: {  	_ =	swait.ge [sflag:s10], $0x800  }
0x15e: {  	[sflag:s10] =	ssyncset.done $0x0  }
0x15f: {  	[sflag:s10] =	ssyncadd.s32 $0xFFFFF800  }
0x160: {  	[tilespmem:s13], [sflag:$0x1] =	stream.indirect.gather [hbm4b:s4+s12], $0x80, s3, s12, $0xb8;
	[tilespmem:$0x1CC00] =	vst v63  }
0x161: {  	_ =	swait.ge [sflag:s14], $0x4000  }
0x162: {  	[sflag:s14] =	ssyncset.done $0x0  }
0x163: {  	[sflag:s14] =	ssyncadd.s32 $0xFFFFC000  }
0x164: {  	[tilespmem:s15], [sflag:$0x2] =	stream.indirect.gather [hbm4b:s4+s12], $0x80, s12, s12, $0xb8;
	[tilespmem:$0x1CC00] =	vst v63  }
0x165: {  	_ = 	snop  }
0x166: {  	[spmem:s2] =	stream.indirect.scatter.add.f32 [tilespmem:s13], [sflag:$0x3], $0x80, s11, s12, $0xb8;
	[tilespmem:$0x1CC00] =	vst v63  }
0x167: {  	_ =	swait.ge [sflag:s10], $0x4000  }
0x168: {  	[sflag:s10] =	ssyncset.done $0x0  }
0x169: {  	[sflag:s10] =	ssyncadd.s32 $0xFFFFC000  }
0x16a: {  	_ =	swait.ge [sflag:s16], $0x4000  }
0x16b: {  	[sflag:s16] =	ssyncset.done $0x0  }
0x16c: {  	s9 =	rddreg [dreg:$0x6];
	[sflag:s16] =	ssyncadd.s32 $0xFFFFC000  }
0x16d: {  	[tilespmem:s13], [sflag:$0x1] =	stream.indirect.gather [hbm4b:s4+s12], $0x80, s9, s12, $0xb8;
	[tilespmem:$0x1CC00] =	vst v63  }
0x16e: {  	s7 =	rddreg [dreg:$0x7]  }
0x16f: {  	[spmem:s2] =	stream.indirect.scatter.add.f32 [tilespmem:s15], [sflag:$0x3], $0x80, s7, s12, $0xb8;
	[tilespmem:$0x1CC00] =	vst v63  }
0x170: {  	_ =	swait.ge [sflag:s10], $0x4000  }
0x171: {  	[sflag:s10] =	ssyncset.done $0x0  }
0x172: {  	[sflag:s10] =	ssyncadd.s32 $0xFFFFC000  }
0x173: {  	_ =	swait.ge [sflag:s14], $0x4000  }
0x174: {  	[sflag:s14] =	ssyncset.done $0x0  }
0x175: {  	s8 =	rddreg [dreg:$0x8];
	[sflag:s14] =	ssyncadd.s32 $0xFFFFC000  }
0x176: {  	[tilespmem:s15], [sflag:$0x2] =	stream.indirect.gather [hbm4b:s4+s12], $0x80, s8, s12, $0xb8;
	[tilespmem:$0x1CC00] =	vst v63  }
0x177: {  	s9 =	rddreg [dreg:$0x9]  }
0x178: {  	[spmem:s2] =	stream.indirect.scatter.add.f32 [tilespmem:s13], [sflag:$0x3], $0x80, s9, s12, $0xb8;
	[tilespmem:$0x1CC00] =	vst v63  }
0x179: {  	_ =	swait.ge [sflag:s10], $0x4000  }
0x17a: {  	[sflag:s10] =	ssyncset.done $0x0  }
0x17b: {  	[sflag:s10] =	ssyncadd.s32 $0xFFFFC000  }
0x17c: {  	_ =	swait.ge [sflag:s16], $0x4000  }
0x17d: {  	[sflag:s16] =	ssyncset.done $0x0  }
0x17e: {  	s8 =	rddreg [dreg:$0xa];
	[sflag:s16] =	ssyncadd.s32 $0xFFFFC000  }
0x17f: {  	[tilespmem:s13], [sflag:$0x1] =	stream.indirect.gather [hbm4b:s4+s12], $0x80, s8, s12, $0xb8;
	[tilespmem:$0x1CC00] =	vst v63  }
0x180: {  	s9 =	rddreg [dreg:$0xb]  }
0x181: {  	[spmem:s2] =	stream.indirect.scatter.add.f32 [tilespmem:s15], [sflag:$0x3], $0x80, s9, s12, $0xb8;
	[tilespmem:$0x1CC00] =	vst v63  }
0x182: {  	_ =	swait.ge [sflag:s10], $0x4000  }
0x183: {  	[sflag:s10] =	ssyncset.done $0x0  }
0x184: {  	[sflag:s10] =	ssyncadd.s32 $0xFFFFC000  }
0x185: {  	_ =	swait.ge [sflag:s14], $0x4000  }
0x186: {  	[sflag:s14] =	ssyncset.done $0x0  }
0x187: {  	s8 =	rddreg [dreg:$0xc];
	[sflag:s14] =	ssyncadd.s32 $0xFFFFC000  }
0x188: {  	[tilespmem:s15], [sflag:$0x2] =	stream.indirect.gather [hbm4b:s4+s12], $0x80, s8, s12, $0xb8;
	[tilespmem:$0x1CC00] =	vst v63  }
0x189: {  	s9 =	rddreg [dreg:$0xd]  }
0x18a: {  	[spmem:s2] =	stream.indirect.scatter.add.f32 [tilespmem:s13], [sflag:$0x3], $0x80, s9, s12, $0xb8;
	[tilespmem:$0x1CC00] =	vst v63  }
0x18b: {  	_ =	swait.ge [sflag:s10], $0x4000  }
0x18c: {  	[sflag:s10] =	ssyncset.done $0x0  }
0x18d: {  	[sflag:s10] =	ssyncadd.s32 $0xFFFFC000  }
0x18e: {  	_ =	swait.ge [sflag:s16], $0x4000  }
0x18f: {  	[sflag:s16] =	ssyncset.done $0x0  }
0x190: {  	s8 =	rddreg [dreg:$0xe];
	[sflag:s16] =	ssyncadd.s32 $0xFFFFC000  }
0x191: {  	[tilespmem:s13], [sflag:$0x1] =	stream.indirect.gather [hbm4b:s4+s12], $0x80, s8, s12, $0xb8;
	[tilespmem:$0x1CC00] =	vst v63  }
0x192: {  	s9 =	rddreg [dreg:$0xf]  }
0x193: {  	[spmem:s2] =	stream.indirect.scatter.add.f32 [tilespmem:s15], [sflag:$0x3], $0x80, s9, s12, $0xb8;
	[tilespmem:$0x1CC00] =	vst v63  }
0x194: {  	_ =	swait.ge [sflag:s10], $0x4000  }
0x195: {  	[sflag:s10] =	ssyncset.done $0x0  }
0x196: {  	[sflag:s10] =	ssyncadd.s32 $0xFFFFC000  }
0x197: {  	_ =	swait.ge [sflag:s14], $0x4000  }
0x198: {  	[sflag:s14] =	ssyncset.done $0x0  }
0x199: {  	s7 =	rddreg [dreg:$0x10];
	[sflag:s14] =	ssyncadd.s32 $0xFFFFC000  }
0x19a: {  	[tilespmem:s15], [sflag:$0x2] =	stream.indirect.gather [hbm4b:s4+s12], $0x80, s7, s12, $0xb8;
	[tilespmem:$0x1CC00] =	vst v63  }
0x19b: {  	s8 =	rddreg [dreg:$0x11]  }
0x19c: {  	[spmem:s2] =	stream.indirect.scatter.add.f32 [tilespmem:s13], [sflag:$0x3], $0x80, s8, s12, $0xb8;
	[tilespmem:$0x1CC00] =	vst v63  }
0x19d: {  	_ =	swait.ge [sflag:s10], $0x4000  }
0x19e: {  	[sflag:s10] =	ssyncset.done $0x0  }
0x19f: {  	[sflag:s10] =	ssyncadd.s32 $0xFFFFC000  }
0x1a0: {  	_ =	swait.ge [sflag:s16], $0x4000  }
0x1a1: {  	[sflag:s16] =	ssyncset.done $0x0  }
0x1a2: {  	[sflag:s16] =	ssyncadd.s32 $0xFFFFC000  }
0x1a3: {  	[tilespmem:s13], [sflag:$0x1] =	stream.indirect.gather [hbm4b:s4+s12], $0x80, s17, s12, $0xb8;
	[tilespmem:$0x1CC00] =	vst v63  }
0x1a4: {  	_ = 	snop  }
0x1a5: {  	[spmem:s2] =	stream.indirect.scatter.add.f32 [tilespmem:s15], [sflag:$0x3], $0x80, s18, s12, $0xb8;
	[tilespmem:$0x1CC00] =	vst v63  }
0x1a6: {  	_ =	swait.ge [sflag:s10], $0x4000  }
0x1a7: {  	[sflag:s10] =	ssyncset.done $0x0  }
0x1a8: {  	[sflag:s10] =	ssyncadd.s32 $0xFFFFC000  }
0x1a9: {  	_ =	swait.ge [sflag:s14], $0x4000  }
0x1aa: {  	[sflag:s14] =	ssyncset.done $0x0  }
0x1ab: {  	[sflag:s14] =	ssyncadd.s32 $0xFFFFC000  }
0x1ac: {  	[tilespmem:s15], [sflag:$0x2] =	stream.indirect.gather [hbm4b:s4+s12], $0x80, s19, s12, $0xb8;
	[tilespmem:$0x1CC00] =	vst v63  }
0x1ad: {  	_ = 	snop  }
0x1ae: {  	[spmem:s2] =	stream.indirect.scatter.add.f32 [tilespmem:s13], [sflag:$0x3], $0x80, s20, s12, $0xb8;
	[tilespmem:$0x1CC00] =	vst v63  }
0x1af: {  	_ =	swait.ge [sflag:s10], $0x4000  }
0x1b0: {  	[sflag:s10] =	ssyncset.done $0x0  }
0x1b1: {  	[sflag:s10] =	ssyncadd.s32 $0xFFFFC000  }
0x1b2: {  	_ =	swait.ge [sflag:s16], $0x4000  }
0x1b3: {  	[sflag:s16] =	ssyncset.done $0x0  }
0x1b4: {  	[sflag:s16] =	ssyncadd.s32 $0xFFFFC000  }
0x1b5: {  	[tilespmem:s13], [sflag:$0x1] =	stream.indirect.gather [hbm4b:s4+s12], $0x80, s21, s12, $0xb8;
	[tilespmem:$0x1CC00] =	vst v63  }
0x1b6: {  	_ = 	snop  }
0x1b7: {  	[spmem:s2] =	stream.indirect.scatter.add.f32 [tilespmem:s15], [sflag:$0x3], $0x80, s22, s12, $0xb8;
	[tilespmem:$0x1CC00] =	vst v63  }
0x1b8: {  	_ =	swait.ge [sflag:s10], $0x4000  }
0x1b9: {  	[sflag:s10] =	ssyncset.done $0x0  }
0x1ba: {  	[sflag:s10] =	ssyncadd.s32 $0xFFFFC000  }
0x1bb: {  	_ =	swait.ge [sflag:s14], $0x4000  }
0x1bc: {  	[sflag:s14] =	ssyncset.done $0x0  }
0x1bd: {  	[sflag:s14] =	ssyncadd.s32 $0xFFFFC000  }
0x1be: {  	[tilespmem:s15], [sflag:$0x2] =	stream.indirect.gather [hbm4b:s4+s12], $0x80, s23, s12, $0xb8;
	[tilespmem:$0x1CC00] =	vst v63  }
0x1bf: {  	_ = 	snop  }
0x1c0: {  	[spmem:s2] =	stream.indirect.scatter.add.f32 [tilespmem:s13], [sflag:$0x3], $0x80, s24, s12, $0xb8;
	[tilespmem:$0x1CC00] =	vst v63  }
0x1c1: {  	_ =	swait.ge [sflag:s10], $0x4000  }
0x1c2: {  	[sflag:s10] =	ssyncset.done $0x0  }
0x1c3: {  	[sflag:s10] =	ssyncadd.s32 $0xFFFFC000  }
0x1c4: {  	_ =	swait.ge [sflag:s16], $0x4000  }
0x1c5: {  	[sflag:s16] =	ssyncset.done $0x0  }
0x1c6: {  	[sflag:s16] =	ssyncadd.s32 $0xFFFFC000  }
0x1c7: {  	[tilespmem:s13], [sflag:$0x1] =	stream.indirect.gather [hbm4b:s4+s12], $0x80, s25, s12, $0xb8;
	[tilespmem:$0x1CC00] =	vst v63  }
0x1c8: {  	_ = 	snop  }
0x1c9: {  	[spmem:s2] =	stream.indirect.scatter.add.f32 [tilespmem:s15], [sflag:$0x3], $0x80, s26, s12, $0xb8;
	[tilespmem:$0x1CC00] =	vst v63  }
0x1ca: {  	_ =	swait.ge [sflag:s10], $0x4000  }
0x1cb: {  	[sflag:s10] =	ssyncset.done $0x0  }
0x1cc: {  	[sflag:s10] =	ssyncadd.s32 $0xFFFFC000  }
0x1cd: {  	_ =	swait.ge [sflag:s14], $0x4000  }
0x1ce: {  	[sflag:s14] =	ssyncset.done $0x0  }
0x1cf: {  	[sflag:s14] =	ssyncadd.s32 $0xFFFFC000  }
0x1d0: {  	[tilespmem:s15], [sflag:$0x2] =	stream.indirect.gather [hbm4b:s4+s12], $0x80, s28, s12, $0xb8;
	[tilespmem:$0x1CC00] =	vst v63  }
0x1d1: {  	_ = 	snop  }
0x1d2: {  	[spmem:s2] =	stream.indirect.scatter.add.f32 [tilespmem:s13], [sflag:$0x3], $0x80, s29, s12, $0xb8;
	[tilespmem:$0x1CC00] =	vst v63  }
0x1d3: {  	_ =	swait.ge [sflag:s10], $0x4000  }
0x1d4: {  	[sflag:s10] =	ssyncset.done $0x0  }
0x1d5: {  	[sflag:s10] =	ssyncadd.s32 $0xFFFFC000  }
0x1d6: {  	_ =	swait.ge [sflag:s16], $0x4000  }
0x1d7: {  	[sflag:s16] =	ssyncset.done $0x0  }
0x1d8: {  	[sflag:s16] =	ssyncadd.s32 $0xFFFFC000  }
0x1d9: {  	[tilespmem:s13], [sflag:$0x1] =	stream.indirect.gather [hbm4b:s4+s12], $0x80, s30, s12, $0xb8;
	[tilespmem:$0x1CC00] =	vst v63  }
0x1da: {  	_ = 	snop  }
0x1db: {  	[spmem:s2] =	stream.indirect.scatter.add.f32 [tilespmem:s15], [sflag:$0x3], $0x80, s31, s12, $0xb8;
	[tilespmem:$0x1CC00] =	vst v63  }
0x1dc: {  	_ =	swait.ge [sflag:s10], $0x4000  }
0x1dd: {  	[sflag:s10] =	ssyncset.done $0x0  }
0x1de: {  	[sflag:s10] =	ssyncadd.s32 $0xFFFFC000  }
0x1df: {  	_ =	swait.ge [sflag:s14], $0x4000  }
0x1e0: {  	[sflag:s14] =	ssyncset.done $0x0  }
0x1e1: {  	[sflag:s14] =	ssyncadd.s32 $0xFFFFC000  }
0x1e2: {  	[tilespmem:s15], [sflag:$0x2] =	stream.indirect.gather [hbm4b:s4+s12], $0x80, s1, s12, $0xb8;
	[tilespmem:$0x1CC00] =	vst v63  }
0x1e3: {  	_ = 	snop  }
0x1e4: {  	[spmem:s2] =	stream.indirect.scatter.add.f32 [tilespmem:s13], [sflag:$0x3], $0x80, s0, s12, $0xb8;
	[tilespmem:$0x1CC00] =	vst v63  }
0x1e5: {  	_ =	swait.ge [sflag:s10], $0x4000  }
0x1e6: {  	[sflag:s10] =	ssyncset.done $0x0  }
0x1e7: {  	[sflag:s10] =	ssyncadd.s32 $0xFFFFC000  }
0x1e8: {  	_ =	swait.ge [sflag:s16], $0x4000  }
0x1e9: {  	[sflag:s16] =	ssyncset.done $0x0  }
0x1ea: {  	[sflag:s16] =	ssyncadd.s32 $0xFFFFC000  }
0x1eb: {  	[spmem:s2] =	stream.indirect.scatter.add.f32 [tilespmem:s15], [sflag:$0x3], $0x80, s5, s12, $0xb8;
	[tilespmem:$0x1CC00] =	vst v63  }
0x1ec: {  	_ =	swait.ge [sflag:s10], $0x4000  }
0x1ed: {  	[sflag:s10] =	ssyncset.done $0x0  }
0x1ee: {  	[sflag:s10] =	ssyncadd.s32 $0xFFFFC000  }
0x1ef: {  	[bflag:$0x0] =	sbarrier.arrive $0xFFFF  }
0x1f0: {  	s7 =	rddreg [dreg:$0x13]  }
0x1f1: {  	s9 =	rddreg [dreg:$0x14]  }
0x1f2: {  	s8 =	rddreg [dreg:$0x16]  }
0x1f3: {  	[hbm:s9], [sflag:s7] =	dma.local [spmem:s8], $0x2780  }
0x1f4: {  	_ =	swait.ge [sflag:s10], $0x2780  }
0x1f5: {  	s6 =	rddreg [dreg:$0x17]  }
0x1f6: {  	s9 =	sadd.s32 $0x1, s6;
	s6 =	rddreg [dreg:$0x15]  }
0x1f7: {  	p0 =	sne.s32 s9, s6  }
.Ltmp1:
0x1f8: {  	_ = 	snop;
	(pc) =	sbr.rel @p0 .LBB2_1-.Ltmp1, $3  }
0x1f9: {  	_ =	sdelay $0x1  }
0x1fa: {  	[sflag:s10] =	ssyncset.done $0x0  }
0x1fb: {  	[sflag:s10] =	ssyncadd.s32 $0xFFFFD880  }
0x1fc: {  	_ =	sfence.sel $0x180000  }
0x1fd: {  	[bflag:$0x0] =	sbarrier.arrive $0xFFFF  }
0x1fe: {  	_ =	strace $0x9000004A  }
0x1ff: {  	s0 =	stileid.u32;
	[bflag:$0x2] =	sbarrier.arrive $0xFFFF  }
0x200: {  	p0 =	sne.s32 s0, $0x0;
	s0 =	rddreg [dreg:$0x3]  }
0x201: {  	s0 =	sadd.s32 @!p0 $0x100000, s0  }
0x202: {  	[sflag:s0] =	ssyncadd.tile.s32 @!p0 $0x1;
	_ =	shalt  }
.Lfunc_end2:
_tile_overlayer_lowered:
.L_overlay_start_2:
0x203: {  	(tag) =	ssettag $0x2  }
0x204: {  	s0 =	rddreg [dreg:$0x0];
	s2 =	stileid.u32  }
0x205: {  	s1 =	rddreg [dreg:$0x1];
	p0 =	sne.s32 s2, $0x0  }
0x206: {  	s3 =	rddreg [dreg:$0x2];
	[bflag:$0x3] =	sbarrier.arrive $0xFFFF;
	s2 =	simm.s32 @!p0 $0x1C03  }
0x207: {  	[timem:s3], [sflag:s2] =	dma.local @!p0 [hbm:s0], s1  }
0x208: {  	s0 =	simm.s32 @!p0 $0x3  }
0x209: {  	_ =	swait.ge @!p0 [sflag:s0], s1  }
0x20a: {  	s1 =	ssub.s32 @!p0 $0x0, s1;
	[sflag:s0] =	ssyncset.done @!p0 $0x0  }
0x20b: {  	[sflag:s0] =	ssyncadd.s32 @!p0 s1  }
0x20c: {  	[bflag:$0x3] =	sbarrier.arrive $0xFFFF  }
0x20d: {  	_ =	shalt  }

// kernel: kernel.14.cloned.1.call-start
scs
__scs_entry_jumppad:
0x0: {  	(pc) =	sbr.rel $0x88, $3  }
0x1: {  	(tag) =	ssettag $0x0;
	lr =	simm.s32 $0x1  }
0x2: {  	[smem:$0x3F99] =	sst lr;
	_ =	strace $0xD0000000  }
0x3: {  	_ = 	snop  }
0x4: {  	_ = 	snop  }
0x5: {  	_ = 	snop  }
0x6: {  	_ = 	snop  }
0x7: {  	_ = 	snop  }
__scs_overlays_trampoline_lowered:
0x8: {  	[smem:$0x3FA8] =	sst s0  }
0x9: {  	[smem:$0x3FA9] =	sst s1  }
0xa: {  	[smem:$0x3FAA] =	sst s2  }
0xb: {  	[smem:$0x3FAB] =	sst s3  }
0xc: {  	[smem:$0x3FAC] =	sst s4  }
0xd: {  	[smem:$0x3FAD] =	sst s5  }
0xe: {  	[smem:$0x3FAE] =	sst s6  }
0xf: {  	[smem:$0x3FAF] =	sst s7  }
0x10: {  	[smem:$0x3FB0] =	sst s8  }
0x11: {  	[smem:$0x3FB1] =	sst s9;
	s0 =	simm.s32 @!p0 $0x0  }
0x12: {  	s1 =	sld [smem:$0x3F97];
	s0 =	simm.s32 @p0 $0x1  }
0x13: {  	[smem:$0x3FB2] =	sst s0;
	s0 =	simm.s32 @!p1 $0x0  }
0x14: {  	s2 =	sld [smem:$0x3F96];
	s0 =	simm.s32 @p1 $0x1  }
0x15: {  	[smem:$0x3FB3] =	sst s0;
	s0 =	simm.s32 @!p2 $0x0  }
0x16: {  	s3 =	sld [smem:$0x3FDB];
	s0 =	simm.s32 @p2 $0x1  }
0x17: {  	s4 =	simm.s32 $0x1BF5;
	[smem:$0x3FB5] =	sst s0  }
0x18: {  	s0 =	sld [smem:$0x3F98];
	_ =	swait.ge [sflag:s4], $0x0  }
0x19: {  	s7 =	sld [smem:$0x3F99]  }
0x1a: {  	s8 =	sadd.s32 $0xFFFFE003, lr  }
0x1b: {  	s9 =	sadd.s32 $0xFFFFFEF7, lr;
	s5 =	simm.s32 $0xFFFFFFFF;
	p2 =	slt.u32 s8, $0xFFFFF086  }
0x1c: {  	p1 =	slt.u32 s9, $0xF7A;
	s5 =	simm.s32 @!p2 $0x0  }
0x1d: {  	s5 =	simm.s32 @p1 $0x1;
	p0 =	seq.s32 s7, s2  }
0x1e: {  	s7 =	smul.u32 @!p0 $0xF7A, s2;
	p2 =	seq.s32 @!p0 s5, $0x0  }
0x1f: {  	s9 =	smul.u32 $0xF7A, s1;
	s8 =	simm.s32 @!p0 $0x1BF5;
	p2 =	por !p2, p0  }
0x20: {  	[sflag:s8] =	ssyncset.s32 @!p0 $0xFFFFF086;
	s6 =	sadd.s32 @!p0 s3, s7;
	s7 =	simm.s32 @!p0 $0x108  }
0x21: {  	s3 =	sadd.s32 s3, s9;
	s6 =	sadd.s32 @!p0 $0x88, s6;
	s7 =	simm.s32 @p2 $0x1082  }
0x22: {  	[simem:s7], [sflag:s8] =	dma.local @!p0 [hbm:s6], $0xF7A  }
0x23: {  	s9 =	sor.u32 $0xD0000000, s2;
	s6 =	simm.s32 $0x108;
	_ =	swait.ge @!p0 [sflag:s8], $0x0  }
0x24: {  	s3 =	sadd.s32 $0x88, s3;
	s6 =	simm.s32 @!p1 $0x1082;
	[sflag:s4] =	ssyncset.s32 $0xFFFFF086  }
0x25: {  	[simem:s6], [sflag:s4] =	dma.local [hbm:s3], $0xF7A  }
0x26: {  	[smem:$0x3F99] =	sst s1;
	(tag) =	ssettag s2;
	_ =	strace s9  }
0x27: {  	s1 =	sld [smem:$0x3FA9]  }
0x28: {  	s2 =	sld [smem:$0x3FAA]  }
0x29: {  	s4 =	sld [smem:$0x3FAC]  }
0x2a: {  	p0 =	seq.s32 s5, $0x0;
	s5 =	sld [smem:$0x3FAD]  }
0x2b: {  	s6 =	sld [smem:$0x3FAE]  }
0x2c: {  	s7 =	sld [smem:$0x3FAF]  }
0x2d: {  	s3 =	simm.s32 $0x108;
	s8 =	sld [smem:$0x3FB0]  }
0x2e: {  	s3 =	simm.s32 @!p0 $0x1082;
	s9 =	sld [smem:$0x3FB1]  }
0x2f: {  	lr =	sadd.s32 s0, s3;
	s0 =	sld [smem:$0x3FA8]  }
0x30: {  	s3 =	sld [smem:$0x3FAB]  }
0x31: {  	[smem:$0x3FB4] =	sst s10  }
0x32: {  	s10 =	sld [smem:$0x3FB2];
	_ =	sdelay $0x3  }
0x33: {  	p0 =	seq.s32 s10, $0x1;
	s10 =	sld [smem:$0x3FB4];
	_ =	sdelay $0x3  }
0x34: {  	[smem:$0x3FB4] =	sst s10  }
0x35: {  	s10 =	sld [smem:$0x3FB3];
	_ =	sdelay $0x3  }
0x36: {  	p1 =	seq.s32 s10, $0x1;
	s10 =	sld [smem:$0x3FB4];
	_ =	sdelay $0x3  }
0x37: {  	[smem:$0x3FB4] =	sst s10  }
0x38: {  	s10 =	sld [smem:$0x3FB5]  }
0x39: {  	_ = 	snop;
	(pc) =	sbr.ind lr, $3  }
0x3a: {  	_ = 	snop  }
0x3b: {  	_ = 	snop  }
0x3c: {  	p2 =	seq.s32 s10, $0x1;
	s10 =	sld [smem:$0x3FB4]  }
0x3d: {  	_ =	shalt  }
0x3e: {  	_ =	shalt  }
0x3f: {  	_ =	shalt  }
0x40: {  	_ =	shalt  }
0x41: {  	_ =	shalt  }
0x42: {  	_ =	shalt  }
0x43: {  	_ =	shalt  }
0x44: {  	_ =	shalt  }
0x45: {  	_ =	shalt  }
0x46: {  	_ =	shalt  }
0x47: {  	_ =	shalt  }
0x48: {  	_ =	shalt  }
0x49: {  	_ =	shalt  }
0x4a: {  	_ =	shalt  }
0x4b: {  	_ =	shalt  }
0x4c: {  	_ =	shalt  }
0x4d: {  	_ =	shalt  }
0x4e: {  	_ =	shalt  }
0x4f: {  	_ =	shalt  }
0x50: {  	_ =	shalt  }
0x51: {  	_ =	shalt  }
0x52: {  	_ =	shalt  }
0x53: {  	_ =	shalt  }
0x54: {  	_ =	shalt  }
0x55: {  	_ =	shalt  }
0x56: {  	_ =	shalt  }
0x57: {  	_ =	shalt  }
0x58: {  	_ =	shalt  }
0x59: {  	_ =	shalt  }
0x5a: {  	_ =	shalt  }
0x5b: {  	_ =	shalt  }
0x5c: {  	_ =	shalt  }
0x5d: {  	_ =	shalt  }
0x5e: {  	_ =	shalt  }
0x5f: {  	_ =	shalt  }
0x60: {  	_ =	shalt  }
0x61: {  	_ =	shalt  }
0x62: {  	_ =	shalt  }
0x63: {  	_ =	shalt  }
0x64: {  	_ =	shalt  }
0x65: {  	_ =	shalt  }
0x66: {  	_ =	shalt  }
0x67: {  	_ =	shalt  }
0x68: {  	_ =	shalt  }
0x69: {  	_ =	shalt  }
0x6a: {  	_ =	shalt  }
0x6b: {  	_ =	shalt  }
0x6c: {  	_ =	shalt  }
0x6d: {  	_ =	shalt  }
0x6e: {  	_ =	shalt  }
0x6f: {  	_ =	shalt  }
0x70: {  	_ =	shalt  }
0x71: {  	_ =	shalt  }
0x72: {  	_ =	shalt  }
0x73: {  	_ =	shalt  }
0x74: {  	_ =	shalt  }
0x75: {  	_ =	shalt  }
0x76: {  	_ =	shalt  }
0x77: {  	_ =	shalt  }
0x78: {  	_ =	shalt  }
0x79: {  	_ =	shalt  }
0x7a: {  	_ =	shalt  }
0x7b: {  	_ =	shalt  }
0x7c: {  	_ =	shalt  }
0x7d: {  	_ =	shalt  }
0x7e: {  	_ =	shalt  }
0x7f: {  	_ =	shalt  }
0x80: {  	_ =	shalt  }
0x81: {  	_ =	shalt  }
0x82: {  	_ =	shalt  }
0x83: {  	_ =	shalt  }
0x84: {  	_ =	shalt  }
0x85: {  	_ =	shalt  }
0x86: {  	_ =	shalt  }
0x87: {  	_ =	shalt  }
.Lfunc_end0:
.L_simem_size_0:
called_computation.2_lowered:
.L_overlay_start_0:
0x88: {  	s2 =	sld [smem:$0x3FD9]  }
0x89: {  	s3 =	sld [smem:$0x3FFE];
	_ =	sdelay $0x1  }
0x8a: {  	s1 =	srdreg.scid  }
0x8b: {  	s0 =	sand.u32 $0x1, s1  }
0x8c: {  	s17 =	sshll.u32 s0, $0xA;
	s2 =	sadd.s32 s3, s2  }
0x8d: {  	s2 =	sadd.s32 s2, s17  }
0x8e: {  	[smem:$0x3FC0] =	sst s2  }
0x8f: {  	_ = 	snop  }
0x90: {  	s2 =	sld [smem:$0x3FD0];
	(tm) =	ssettm $0x1  }
0x91: {  	s18 =	sld [smem:$0x3FFB];
	_ =	sdelay $0x3  }
0x92: {  	_ =	strace s18  }
0x93: {  	s3 =	sld [smem:$0x3FFC];
	_ =	sdelay $0x3  }
0x94: {  	_ =	strace s3  }
0x95: {  	s3 =	sld [smem:$0x3FFD];
	_ =	sdelay $0x3  }
0x96: {  	_ =	strace s3  }
0x97: {  	_ =	strace $0x8FFFFFFF  }
0x98: {  	s19 =	sld [smem:$0x3FDB];
	_ =	sdelay $0x1  }
0x99: {  	s4 =	simm.s32 $_scs_section_size  }
0x9a: {  	s5 =	simm.s32 $_size__tile_overlayer_lowered;
	s6 =	simm.s32 $_tile_overlayer_lowered  }
0x9b: {  	s22 =	simm.s32 $0x1BFF;
	s21 =	sshll.u32 s6, $0x1;
	s3 =	sadd.s32 s4, s19  }
0x9c: {  	s7 =	simm.s32 $0x0;
	s20 =	sshll.u32 s5, $0x1;
	s5 =	sadd.s32 s21, s3  }
0x9d: {  	[timem:s7], [sflag:s22] =	dma.local [hbm:s5], s20  }
0x9e: {  	_ =	swait.ge [sflag:s22], s20  }
0x9f: {  	s4 =	ssub.s32 $0x0, s20;
	[sflag:s22] =	ssyncset.done $0x0  }
0xa0: {  	[sflag:s22] =	ssyncadd.s32 s4;
	_ =	sdelay $0x1  }
0xa1: {  	s23 =	simm.s32 $0x1B8B  }
0xa2: {  	_ =	swait.ge [sflag:s23], $0x1  }
0xa3: {  	[sflag:s23] =	ssyncset.done $0x0  }
0xa4: {  	s25 =	simm.s32 $0x1B8E;
	s24 =	sld [smem:$0x3FFE];
	[sflag:s23] =	ssyncadd.s32 $0xFFFFFFFF  }
0xa5: {  	s26 =	simm.s32 $execute0_lowered;
	[smem:$0x3FD2] =	sst s25  }
0xa6: {  	s5 =	sshll.u32 s26, $0x1;
	_ =	strace $0x8000004C;
	[dreg:$0x1] =	wrdreg $0xFFFFFFFF  }
0xa7: {  	s28 =	simm.s32 $_size_execute0_lowered;
	s3 =	sadd.s32 s3, s5;
	[dreg:$0x0] =	wrdreg $0x0  }
0xa8: {  	s5 =	sshll.u32 s28, $0x1;
	[dreg:$0x2] =	wrdreg s3  }
0xa9: {  	[dreg:$0x3] =	wrdreg s5  }
0xaa: {  	[dreg:$0x4] =	wrdreg $0xC0  }
0xab: {  	_ =	task [dreg:s7], $0x5FFFF  }
0xac: {  	[dreg:$0x1] =	wrdreg $0xFFFFFFFF  }
0xad: {  	[dreg:$0x0] =	wrdreg $0x60  }
0xae: {  	[dreg:$0x2] =	wrdreg s24  }
0xaf: {  	[dreg:$0x3] =	wrdreg s2  }
0xb0: {  	[dreg:$0x4] =	wrdreg $0x90000  }
0xb1: {  	[dreg:$0x5] =	wrdreg $0x9  }
0xb2: {  	_ =	task.clear_ibuf [dreg:s7], $0x6FFFF;
	_ =	strace $0x9000004C  }
0xb3: {  	s29 =	simm.s32 $0x9;
	_ =	strace $0x8000004E  }
0xb4: {  	_ =	swait.ge [sflag:s29], $0x1  }
0xb5: {  	[sflag:s29] =	ssyncadd.s32 $0xFFFFFFFF  }
0xb6: {  	_ =	strace $0x9000004E  }
0xb7: {  	_ =	sfence  }
0xb8: {  	s30 =	sld [smem:$0x0];
	_ =	sdelay $0x2  }
0xb9: {  	s31 =	sshll.u32 s1, $0xD;
	s1 =	sshrl.u32 s1, $0x2  }
0xba: {  	s3 =	sand.u32 $0x4000, s31;
	s1 =	sadd.s32 s1, s30  }
0xbb: {  	s0 =	sor.u32 s3, s0;
	s1 =	sshll.u32 s1, $0x11  }
0xbc: {  	s0 =	sor.u32 s1, s0  }
0xbd: {  	s0 =	sadd.s32 $0x8F2B, s0  }
0xbe: {  	[sflag:s0] =	ssyncadd.remote.s32 $0x1  }
0xbf: {  	_ =	sfence.sel $0xFFFF  }
0xc0: {  	[dreg:$0x0] =	wrdreg $0xFFFFFFFF;
	(pc) =	sbr.abs _section_cstart, $3  }
0xc1: {  	[dreg:$0x1] =	wrdreg $0xFFFFFFFF  }
0xc2: {  	_ =	task.clear_ibuf [dreg:s7], $0x2FFFF;
	_ =	strace $0x9FFFFFFF  }
0xc3: {  	(tm) =	ssettm $0x7FFFFFFF  }
tec
execute0_lowered:
.L_overlay_start_1:
0x0: {  	(tag) =	ssettag $0x1  }
0x1: {  	s0 =	rddreg [dreg:$0x0]  }
0x2: {  	s1 =	srdreg.scid;
	s5 =	rddreg [dreg:$0x1]  }
0x3: {  	s12 =	stileid.u32;
	s2 =	rddreg [dreg:$0x2]  }
0x4: {  	s3 =	simm.s32 $0x0;
	s13 =	simm.s32 $0x100;
	s15 =	simm.s32 $0x880  }
0x5: {  	s17 =	simm.s32 $0x180;
	s18 =	simm.s32 $0x900;
	s19 =	simm.s32 $0x200  }
0x6: {  	s20 =	simm.s32 $0x980;
	s21 =	simm.s32 $0x280;
	[smem:$0x7FF] =	sst s3  }
0x7: {  	s22 =	simm.s32 $0xA00;
	_ =	strace $0x8000004D;
	[dreg:$0x6] =	wrdreg s13  }
0x8: {  	s23 =	simm.s32 $0x300;
	s24 =	simm.s32 $0xA80;
	[dreg:$0x7] =	wrdreg s15  }
0x9: {  	s28 =	simm.s32 $0x680;
	s29 =	simm.s32 $0xE00;
	[dreg:$0x8] =	wrdreg s17  }
0xa: {  	s30 =	simm.s32 $0x700;
	s6 =	smul.u32 $0x2800, s12;
	[dreg:$0x9] =	wrdreg s18  }
0xb: {  	s31 =	simm.s32 $0xE80;
	s25 =	smul.u32 $0x13C00, s12;
	[dreg:$0xa] =	wrdreg s19  }
0xc: {  	s1 =	sand.u32 $0x1, s1;
	s11 =	smul.u32 $0x4F000, s12;
	[dreg:$0xb] =	wrdreg s20  }
0xd: {  	s16 =	sshll.u32 s12, $0x6;
	s4 =	smul.u32 $0x28000, s1;
	[dreg:$0xc] =	wrdreg s21  }
0xe: {  	s12 =	simm.s32 $0x80;
	s8 =	smul.u32 $0x13C000, s1;
	[dreg:$0xd] =	wrdreg s22  }
0xf: {  	s1 =	ssub.s32 $0x2, s1;
	[dreg:$0xe] =	wrdreg s23;
	s13 =	simm.s32 $0x1000  }
0x10: {  	[dreg:$0xf] =	wrdreg s24;
	s15 =	simm.s32 $0x5000;
	s17 =	simm.s32 $0x400  }
0x11: {  	s18 =	simm.s32 $0xB80;
	s19 =	simm.s32 $0x480;
	s20 =	simm.s32 $0xC00  }
0x12: {  	s21 =	simm.s32 $0x500;
	s22 =	simm.s32 $0xC80;
	s23 =	simm.s32 $0x580  }
0x13: {  	s24 =	simm.s32 $0xD00;
	s10 =	sshrl.u32 s25, $0x3;
	s26 =	sshrl.u32 s1, $0x1  }
0x14: {  	s4 =	sadd.s32 s6, s4;
	s10 =	sadd.s32 s10, s0;
	s6 =	sadd.s32 s25, s8  }
0x15: {  	s1 =	ssub.s32 s1, s26;
	s8 =	sshrl.u32 s11, $0x2;
	s25 =	simm.s32 $0x380  }
0x16: {  	s26 =	simm.s32 $0xB00;
	s7 =	sshrl.u32 s4, $0x3;
	s4 =	sadd.s32 $0x34200, s0  }
0x17: {  	s6 =	sshrl.u32 s6, $0x3;
	s14 =	sadd.s32 $0xCA00, s10;
	[dreg:$0x10] =	wrdreg s25  }
0x18: {  	s1 =	smax.u32 s1, $0x1;
	s10 =	simm.s32 $0x3;
	[dreg:$0x11] =	wrdreg s26  }
0x19: {  	s25 =	simm.s32 $0x600;
	s26 =	simm.s32 $0xD80;
	s9 =	sadd.s32 s7, s0  }
0x1a: {  	s0 =	sadd.s32 s6, s0;
	s5 =	sadd.s32 s7, s5;
	[dreg:$0x12] =	wrdreg s14  }
0x1b: {  	s6 =	sadd.s32 s8, s2;
	s7 =	sor.u32 $0x1C03, s16;
	[dreg:$0x15] =	wrdreg s1  }
0x1c: {  	s14 =	simm.s32 $0x1;
	s16 =	simm.s32 $0x2;
	[dreg:$0x4] =	wrdreg s5  }
0x1d: {  	s1 =	simm.s32 $0x780;
	s11 =	sadd.s32 $0x2A00, s9;
	[dreg:$0x13] =	wrdreg s7  }
0x1e: {  	s0 =	sadd.s32 $0x5B400, s0;
	s8 =	sshrl.u32 s6, $0x3;
	[dreg:$0x5] =	wrdreg s11  }
0x1f: {  	s5 =	simm.s32 $0xF80;
	s9 =	simm.s32 $0x0;
	[dreg:$0x14] =	wrdreg s0  }
0x20: {  	s11 =	simm.s32 $0x800;
	s0 =	simm.s32 $0xF00;
	[dreg:$0x16] =	wrdreg s8  }
.LBB2_1:
0x21: {  	[dreg:$0x17] =	wrdreg s9  }
0x22: {  	s6 =	rddreg [dreg:$0x12]  }
0x23: {  	[spmem:s8], [sflag:s7] =	dma.local [hbm:s6], $0x2780  }
0x24: {  	_ =	swait.ge [sflag:s10], $0x2780  }
0x25: {  	[sflag:s10] =	ssyncset.done $0x0  }
0x26: {  	[sflag:s10] =	ssyncadd.s32 $0xFFFFD880  }
0x27: {  	[bflag:$0x0] =	sbarrier.arrive $0xFFFF  }
0x28: {  	s7 =	rddreg [dreg:$0x5]  }
0x29: {  	s6 =	sadd.s32 $0x0, s7  }
0x2a: {  	[tilespmem:s3], [sflag:$0x3] =	stream.linear.gather [hbm4b:s6+s3], $0x800, $0x38;
	[tilespmem:$0x1CC00] =	vst v63  }
0x2b: {  	_ =	swait.ge [sflag:s10], $0x800  }
0x2c: {  	s8 =	rddreg [dreg:$0x4];
	[sflag:s10] =	ssyncset.done $0x0  }
0x2d: {  	[sflag:s10] =	ssyncadd.s32 $0xFFFFF800;
	s6 =	sadd.s32 $0x0, s8  }
0x2e: {  	[tilespmem:s11], [sflag:$0x3] =	stream.linear.gather [hbm4b:s6+s3], $0x800, $0x38;
	[tilespmem:$0x1CC00] =	vst v63  }
0x2f: {  	_ =	swait.ge [sflag:s10], $0x800  }
0x30: {  	[sflag:s10] =	ssyncset.done $0x0  }
0x31: {  	[sflag:s10] =	ssyncadd.s32 $0xFFFFF800  }
0x32: {  	[tilespmem:s13], [sflag:$0x1] =	stream.indirect.gather [hbm4b:s4+s12], $0x80, s3, s12, $0xb8;
	[tilespmem:$0x1CC00] =	vst v63  }
0x33: {  	_ =	swait.ge [sflag:s14], $0x4000  }
0x34: {  	[sflag:s14] =	ssyncset.done $0x0  }
0x35: {  	[sflag:s14] =	ssyncadd.s32 $0xFFFFC000  }
0x36: {  	[tilespmem:s15], [sflag:$0x2] =	stream.indirect.gather [hbm4b:s4+s12], $0x80, s12, s12, $0xb8;
	[tilespmem:$0x1CC00] =	vst v63  }
0x37: {  	_ = 	snop  }
0x38: {  	[spmem:s2] =	stream.indirect.scatter.add.f32 [tilespmem:s13], [sflag:$0x3], $0x80, s11, s12, $0xb8;
	[tilespmem:$0x1CC00] =	vst v63  }
0x39: {  	_ =	swait.ge [sflag:s10], $0x4000  }
0x3a: {  	[sflag:s10] =	ssyncset.done $0x0  }
0x3b: {  	[sflag:s10] =	ssyncadd.s32 $0xFFFFC000  }
0x3c: {  	_ =	swait.ge [sflag:s16], $0x4000  }
0x3d: {  	[sflag:s16] =	ssyncset.done $0x0  }
0x3e: {  	s9 =	rddreg [dreg:$0x6];
	[sflag:s16] =	ssyncadd.s32 $0xFFFFC000  }
0x3f: {  	[tilespmem:s13], [sflag:$0x1] =	stream.indirect.gather [hbm4b:s4+s12], $0x80, s9, s12, $0xb8;
	[tilespmem:$0x1CC00] =	vst v63  }
0x40: {  	s7 =	rddreg [dreg:$0x7]  }
0x41: {  	[spmem:s2] =	stream.indirect.scatter.add.f32 [tilespmem:s15], [sflag:$0x3], $0x80, s7, s12, $0xb8;
	[tilespmem:$0x1CC00] =	vst v63  }
0x42: {  	_ =	swait.ge [sflag:s10], $0x4000  }
0x43: {  	[sflag:s10] =	ssyncset.done $0x0  }
0x44: {  	[sflag:s10] =	ssyncadd.s32 $0xFFFFC000  }
0x45: {  	_ =	swait.ge [sflag:s14], $0x4000  }
0x46: {  	[sflag:s14] =	ssyncset.done $0x0  }
0x47: {  	s9 =	rddreg [dreg:$0x8];
	[sflag:s14] =	ssyncadd.s32 $0xFFFFC000  }
0x48: {  	[tilespmem:s15], [sflag:$0x2] =	stream.indirect.gather [hbm4b:s4+s12], $0x80, s9, s12, $0xb8;
	[tilespmem:$0x1CC00] =	vst v63  }
0x49: {  	s7 =	rddreg [dreg:$0x9]  }
0x4a: {  	[spmem:s2] =	stream.indirect.scatter.add.f32 [tilespmem:s13], [sflag:$0x3], $0x80, s7, s12, $0xb8;
	[tilespmem:$0x1CC00] =	vst v63  }
0x4b: {  	_ =	swait.ge [sflag:s10], $0x4000  }
0x4c: {  	[sflag:s10] =	ssyncset.done $0x0  }
0x4d: {  	[sflag:s10] =	ssyncadd.s32 $0xFFFFC000  }
0x4e: {  	_ =	swait.ge [sflag:s16], $0x4000  }
0x4f: {  	[sflag:s16] =	ssyncset.done $0x0  }
0x50: {  	s9 =	rddreg [dreg:$0xa];
	[sflag:s16] =	ssyncadd.s32 $0xFFFFC000  }
0x51: {  	[tilespmem:s13], [sflag:$0x1] =	stream.indirect.gather [hbm4b:s4+s12], $0x80, s9, s12, $0xb8;
	[tilespmem:$0x1CC00] =	vst v63  }
0x52: {  	s7 =	rddreg [dreg:$0xb]  }
0x53: {  	[spmem:s2] =	stream.indirect.scatter.add.f32 [tilespmem:s15], [sflag:$0x3], $0x80, s7, s12, $0xb8;
	[tilespmem:$0x1CC00] =	vst v63  }
0x54: {  	_ =	swait.ge [sflag:s10], $0x4000  }
0x55: {  	[sflag:s10] =	ssyncset.done $0x0  }
0x56: {  	[sflag:s10] =	ssyncadd.s32 $0xFFFFC000  }
0x57: {  	_ =	swait.ge [sflag:s14], $0x4000  }
0x58: {  	[sflag:s14] =	ssyncset.done $0x0  }
0x59: {  	s9 =	rddreg [dreg:$0xc];
	[sflag:s14] =	ssyncadd.s32 $0xFFFFC000  }
0x5a: {  	[tilespmem:s15], [sflag:$0x2] =	stream.indirect.gather [hbm4b:s4+s12], $0x80, s9, s12, $0xb8;
	[tilespmem:$0x1CC00] =	vst v63  }
0x5b: {  	s7 =	rddreg [dreg:$0xd]  }
0x5c: {  	[spmem:s2] =	stream.indirect.scatter.add.f32 [tilespmem:s13], [sflag:$0x3], $0x80, s7, s12, $0xb8;
	[tilespmem:$0x1CC00] =	vst v63  }
0x5d: {  	_ =	swait.ge [sflag:s10], $0x4000  }
0x5e: {  	[sflag:s10] =	ssyncset.done $0x0  }
0x5f: {  	[sflag:s10] =	ssyncadd.s32 $0xFFFFC000  }
0x60: {  	_ =	swait.ge [sflag:s16], $0x4000  }
0x61: {  	[sflag:s16] =	ssyncset.done $0x0  }
0x62: {  	s9 =	rddreg [dreg:$0xe];
	[sflag:s16] =	ssyncadd.s32 $0xFFFFC000  }
0x63: {  	[tilespmem:s13], [sflag:$0x1] =	stream.indirect.gather [hbm4b:s4+s12], $0x80, s9, s12, $0xb8;
	[tilespmem:$0x1CC00] =	vst v63  }
0x64: {  	s7 =	rddreg [dreg:$0xf]  }
0x65: {  	[spmem:s2] =	stream.indirect.scatter.add.f32 [tilespmem:s15], [sflag:$0x3], $0x80, s7, s12, $0xb8;
	[tilespmem:$0x1CC00] =	vst v63  }
0x66: {  	_ =	swait.ge [sflag:s10], $0x4000  }
0x67: {  	[sflag:s10] =	ssyncset.done $0x0  }
0x68: {  	[sflag:s10] =	ssyncadd.s32 $0xFFFFC000  }
0x69: {  	_ =	swait.ge [sflag:s14], $0x4000  }
0x6a: {  	[sflag:s14] =	ssyncset.done $0x0  }
0x6b: {  	s8 =	rddreg [dreg:$0x10];
	[sflag:s14] =	ssyncadd.s32 $0xFFFFC000  }
0x6c: {  	[tilespmem:s15], [sflag:$0x2] =	stream.indirect.gather [hbm4b:s4+s12], $0x80, s8, s12, $0xb8;
	[tilespmem:$0x1CC00] =	vst v63  }
0x6d: {  	s9 =	rddreg [dreg:$0x11]  }
0x6e: {  	[spmem:s2] =	stream.indirect.scatter.add.f32 [tilespmem:s13], [sflag:$0x3], $0x80, s9, s12, $0xb8;
	[tilespmem:$0x1CC00] =	vst v63  }
0x6f: {  	_ =	swait.ge [sflag:s10], $0x4000  }
0x70: {  	[sflag:s10] =	ssyncset.done $0x0  }
0x71: {  	[sflag:s10] =	ssyncadd.s32 $0xFFFFC000  }
0x72: {  	_ =	swait.ge [sflag:s16], $0x4000  }
0x73: {  	[sflag:s16] =	ssyncset.done $0x0  }
0x74: {  	[sflag:s16] =	ssyncadd.s32 $0xFFFFC000  }
0x75: {  	[tilespmem:s13], [sflag:$0x1] =	stream.indirect.gather [hbm4b:s4+s12], $0x80, s17, s12, $0xb8;
	[tilespmem:$0x1CC00] =	vst v63  }
0x76: {  	_ = 	snop  }
0x77: {  	[spmem:s2] =	stream.indirect.scatter.add.f32 [tilespmem:s15], [sflag:$0x3], $0x80, s18, s12, $0xb8;
	[tilespmem:$0x1CC00] =	vst v63  }
0x78: {  	_ =	swait.ge [sflag:s10], $0x4000  }
0x79: {  	[sflag:s10] =	ssyncset.done $0x0  }
0x7a: {  	[sflag:s10] =	ssyncadd.s32 $0xFFFFC000  }
0x7b: {  	_ =	swait.ge [sflag:s14], $0x4000  }
0x7c: {  	[sflag:s14] =	ssyncset.done $0x0  }
0x7d: {  	[sflag:s14] =	ssyncadd.s32 $0xFFFFC000  }
0x7e: {  	[tilespmem:s15], [sflag:$0x2] =	stream.indirect.gather [hbm4b:s4+s12], $0x80, s19, s12, $0xb8;
	[tilespmem:$0x1CC00] =	vst v63  }
0x7f: {  	_ = 	snop  }
0x80: {  	[spmem:s2] =	stream.indirect.scatter.add.f32 [tilespmem:s13], [sflag:$0x3], $0x80, s20, s12, $0xb8;
	[tilespmem:$0x1CC00] =	vst v63  }
0x81: {  	_ =	swait.ge [sflag:s10], $0x4000  }
0x82: {  	[sflag:s10] =	ssyncset.done $0x0  }
0x83: {  	[sflag:s10] =	ssyncadd.s32 $0xFFFFC000  }
0x84: {  	_ =	swait.ge [sflag:s16], $0x4000  }
0x85: {  	[sflag:s16] =	ssyncset.done $0x0  }
0x86: {  	[sflag:s16] =	ssyncadd.s32 $0xFFFFC000  }
0x87: {  	[tilespmem:s13], [sflag:$0x1] =	stream.indirect.gather [hbm4b:s4+s12], $0x80, s21, s12, $0xb8;
	[tilespmem:$0x1CC00] =	vst v63  }
0x88: {  	_ = 	snop  }
0x89: {  	[spmem:s2] =	stream.indirect.scatter.add.f32 [tilespmem:s15], [sflag:$0x3], $0x80, s22, s12, $0xb8;
	[tilespmem:$0x1CC00] =	vst v63  }
0x8a: {  	_ =	swait.ge [sflag:s10], $0x4000  }
0x8b: {  	[sflag:s10] =	ssyncset.done $0x0  }
0x8c: {  	[sflag:s10] =	ssyncadd.s32 $0xFFFFC000  }
0x8d: {  	_ =	swait.ge [sflag:s14], $0x4000  }
0x8e: {  	[sflag:s14] =	ssyncset.done $0x0  }
0x8f: {  	[sflag:s14] =	ssyncadd.s32 $0xFFFFC000  }
0x90: {  	[tilespmem:s15], [sflag:$0x2] =	stream.indirect.gather [hbm4b:s4+s12], $0x80, s23, s12, $0xb8;
	[tilespmem:$0x1CC00] =	vst v63  }
0x91: {  	_ = 	snop  }
0x92: {  	[spmem:s2] =	stream.indirect.scatter.add.f32 [tilespmem:s13], [sflag:$0x3], $0x80, s24, s12, $0xb8;
	[tilespmem:$0x1CC00] =	vst v63  }
0x93: {  	_ =	swait.ge [sflag:s10], $0x4000  }
0x94: {  	[sflag:s10] =	ssyncset.done $0x0  }
0x95: {  	[sflag:s10] =	ssyncadd.s32 $0xFFFFC000  }
0x96: {  	_ =	swait.ge [sflag:s16], $0x4000  }
0x97: {  	[sflag:s16] =	ssyncset.done $0x0  }
0x98: {  	[sflag:s16] =	ssyncadd.s32 $0xFFFFC000  }
0x99: {  	[tilespmem:s13], [sflag:$0x1] =	stream.indirect.gather [hbm4b:s4+s12], $0x80, s25, s12, $0xb8;
	[tilespmem:$0x1CC00] =	vst v63  }
0x9a: {  	_ = 	snop  }
0x9b: {  	[spmem:s2] =	stream.indirect.scatter.add.f32 [tilespmem:s15], [sflag:$0x3], $0x80, s26, s12, $0xb8;
	[tilespmem:$0x1CC00] =	vst v63  }
0x9c: {  	_ =	swait.ge [sflag:s10], $0x4000  }
0x9d: {  	[sflag:s10] =	ssyncset.done $0x0  }
0x9e: {  	[sflag:s10] =	ssyncadd.s32 $0xFFFFC000  }
0x9f: {  	_ =	swait.ge [sflag:s14], $0x4000  }
0xa0: {  	[sflag:s14] =	ssyncset.done $0x0  }
0xa1: {  	[sflag:s14] =	ssyncadd.s32 $0xFFFFC000  }
0xa2: {  	[tilespmem:s15], [sflag:$0x2] =	stream.indirect.gather [hbm4b:s4+s12], $0x80, s28, s12, $0xb8;
	[tilespmem:$0x1CC00] =	vst v63  }
0xa3: {  	_ = 	snop  }
0xa4: {  	[spmem:s2] =	stream.indirect.scatter.add.f32 [tilespmem:s13], [sflag:$0x3], $0x80, s29, s12, $0xb8;
	[tilespmem:$0x1CC00] =	vst v63  }
0xa5: {  	_ =	swait.ge [sflag:s10], $0x4000  }
0xa6: {  	[sflag:s10] =	ssyncset.done $0x0  }
0xa7: {  	[sflag:s10] =	ssyncadd.s32 $0xFFFFC000  }
0xa8: {  	_ =	swait.ge [sflag:s16], $0x4000  }
0xa9: {  	[sflag:s16] =	ssyncset.done $0x0  }
0xaa: {  	[sflag:s16] =	ssyncadd.s32 $0xFFFFC000  }
0xab: {  	[tilespmem:s13], [sflag:$0x1] =	stream.indirect.gather [hbm4b:s4+s12], $0x80, s30, s12, $0xb8;
	[tilespmem:$0x1CC00] =	vst v63  }
0xac: {  	_ = 	snop  }
0xad: {  	[spmem:s2] =	stream.indirect.scatter.add.f32 [tilespmem:s15], [sflag:$0x3], $0x80, s31, s12, $0xb8;
	[tilespmem:$0x1CC00] =	vst v63  }
0xae: {  	_ =	swait.ge [sflag:s10], $0x4000  }
0xaf: {  	[sflag:s10] =	ssyncset.done $0x0  }
0xb0: {  	[sflag:s10] =	ssyncadd.s32 $0xFFFFC000  }
0xb1: {  	_ =	swait.ge [sflag:s14], $0x4000  }
0xb2: {  	[sflag:s14] =	ssyncset.done $0x0  }
0xb3: {  	[sflag:s14] =	ssyncadd.s32 $0xFFFFC000  }
0xb4: {  	[tilespmem:s15], [sflag:$0x2] =	stream.indirect.gather [hbm4b:s4+s12], $0x80, s1, s12, $0xb8;
	[tilespmem:$0x1CC00] =	vst v63  }
0xb5: {  	_ = 	snop  }
0xb6: {  	[spmem:s2] =	stream.indirect.scatter.add.f32 [tilespmem:s13], [sflag:$0x3], $0x80, s0, s12, $0xb8;
	[tilespmem:$0x1CC00] =	vst v63  }
0xb7: {  	_ =	swait.ge [sflag:s10], $0x4000  }
0xb8: {  	[sflag:s10] =	ssyncset.done $0x0  }
0xb9: {  	[sflag:s10] =	ssyncadd.s32 $0xFFFFC000  }
0xba: {  	_ =	swait.ge [sflag:s16], $0x4000  }
0xbb: {  	[sflag:s16] =	ssyncset.done $0x0  }
0xbc: {  	[sflag:s16] =	ssyncadd.s32 $0xFFFFC000  }
0xbd: {  	[spmem:s2] =	stream.indirect.scatter.add.f32 [tilespmem:s15], [sflag:$0x3], $0x80, s5, s12, $0xb8;
	[tilespmem:$0x1CC00] =	vst v63  }
0xbe: {  	s6 =	simm.s32 $0x200;
	_ =	swait.ge [sflag:s10], $0x4000  }
0xbf: {  	s8 =	simm.s32 $0x100;
	s9 =	rddreg [dreg:$0x5];
	[sflag:s10] =	ssyncset.done $0x0  }
.LBB2_2:
0xc0: {  	[sflag:s10] =	ssyncadd.s32 $0xFFFFC000;
	s9 =	sadd.s32 s8, s9  }
0xc1: {  	[tilespmem:s3], [sflag:$0x3] =	stream.linear.gather [hbm4b:s9+s3], $0x800, $0x38;
	[tilespmem:$0x1CC00] =	vst v63  }
0xc2: {  	_ =	swait.ge [sflag:s10], $0x800  }
0xc3: {  	s9 =	rddreg [dreg:$0x4];
	[sflag:s10] =	ssyncset.done $0x0  }
0xc4: {  	[sflag:s10] =	ssyncadd.s32 $0xFFFFF800;
	s9 =	sadd.s32 s8, s9  }
0xc5: {  	[tilespmem:s11], [sflag:$0x3] =	stream.linear.gather [hbm4b:s9+s3], $0x800, $0x38;
	[tilespmem:$0x1CC00] =	vst v63  }
0xc6: {  	_ =	swait.ge [sflag:s10], $0x800  }
0xc7: {  	[sflag:s10] =	ssyncset.done $0x0  }
0xc8: {  	[sflag:s10] =	ssyncadd.s32 $0xFFFFF800  }
0xc9: {  	[tilespmem:s13], [sflag:$0x1] =	stream.indirect.gather [hbm4b:s4+s12], $0x80, s3, s12, $0xb8;
	[tilespmem:$0x1CC00] =	vst v63  }
0xca: {  	_ =	swait.ge [sflag:s14], $0x4000  }
0xcb: {  	[sflag:s14] =	ssyncset.done $0x0  }
0xcc: {  	[sflag:s14] =	ssyncadd.s32 $0xFFFFC000  }
0xcd: {  	[tilespmem:s15], [sflag:$0x2] =	stream.indirect.gather [hbm4b:s4+s12], $0x80, s12, s12, $0xb8;
	[tilespmem:$0x1CC00] =	vst v63  }
0xce: {  	_ = 	snop  }
0xcf: {  	[spmem:s2] =	stream.indirect.scatter.add.f32 [tilespmem:s13], [sflag:$0x3], $0x80, s11, s12, $0xb8;
	[tilespmem:$0x1CC00] =	vst v63  }
0xd0: {  	_ =	swait.ge [sflag:s10], $0x4000  }
0xd1: {  	[sflag:s10] =	ssyncset.done $0x0  }
0xd2: {  	[sflag:s10] =	ssyncadd.s32 $0xFFFFC000  }
0xd3: {  	_ =	swait.ge [sflag:s16], $0x4000  }
0xd4: {  	s7 =	smov.u32 s6;
	[sflag:s16] =	ssyncset.done $0x0  }
0xd5: {  	s8 =	smov.u32 s7;
	s7 =	rddreg [dreg:$0x6];
	[sflag:s16] =	ssyncadd.s32 $0xFFFFC000  }
0xd6: {  	[tilespmem:s13], [sflag:$0x1] =	stream.indirect.gather [hbm4b:s4+s12], $0x80, s7, s12, $0xb8;
	[tilespmem:$0x1CC00] =	vst v63  }
0xd7: {  	s9 =	rddreg [dreg:$0x7]  }
0xd8: {  	[spmem:s2] =	stream.indirect.scatter.add.f32 [tilespmem:s15], [sflag:$0x3], $0x80, s9, s12, $0xb8;
	[tilespmem:$0x1CC00] =	vst v63  }
0xd9: {  	_ =	swait.ge [sflag:s10], $0x4000  }
0xda: {  	[sflag:s10] =	ssyncset.done $0x0  }
0xdb: {  	[sflag:s10] =	ssyncadd.s32 $0xFFFFC000  }
0xdc: {  	_ =	swait.ge [sflag:s14], $0x4000  }
0xdd: {  	[sflag:s14] =	ssyncset.done $0x0  }
0xde: {  	s7 =	rddreg [dreg:$0x8];
	[sflag:s14] =	ssyncadd.s32 $0xFFFFC000  }
0xdf: {  	[tilespmem:s15], [sflag:$0x2] =	stream.indirect.gather [hbm4b:s4+s12], $0x80, s7, s12, $0xb8;
	[tilespmem:$0x1CC00] =	vst v63  }
0xe0: {  	s9 =	rddreg [dreg:$0x9]  }
0xe1: {  	[spmem:s2] =	stream.indirect.scatter.add.f32 [tilespmem:s13], [sflag:$0x3], $0x80, s9, s12, $0xb8;
	[tilespmem:$0x1CC00] =	vst v63  }
0xe2: {  	_ =	swait.ge [sflag:s10], $0x4000  }
0xe3: {  	[sflag:s10] =	ssyncset.done $0x0  }
0xe4: {  	[sflag:s10] =	ssyncadd.s32 $0xFFFFC000  }
0xe5: {  	_ =	swait.ge [sflag:s16], $0x4000  }
0xe6: {  	[sflag:s16] =	ssyncset.done $0x0  }
0xe7: {  	s7 =	rddreg [dreg:$0xa];
	[sflag:s16] =	ssyncadd.s32 $0xFFFFC000  }
0xe8: {  	[tilespmem:s13], [sflag:$0x1] =	stream.indirect.gather [hbm4b:s4+s12], $0x80, s7, s12, $0xb8;
	[tilespmem:$0x1CC00] =	vst v63  }
0xe9: {  	s9 =	rddreg [dreg:$0xb]  }
0xea: {  	[spmem:s2] =	stream.indirect.scatter.add.f32 [tilespmem:s15], [sflag:$0x3], $0x80, s9, s12, $0xb8;
	[tilespmem:$0x1CC00] =	vst v63  }
0xeb: {  	_ =	swait.ge [sflag:s10], $0x4000  }
0xec: {  	[sflag:s10] =	ssyncset.done $0x0  }
0xed: {  	[sflag:s10] =	ssyncadd.s32 $0xFFFFC000  }
0xee: {  	_ =	swait.ge [sflag:s14], $0x4000  }
0xef: {  	[sflag:s14] =	ssyncset.done $0x0  }
0xf0: {  	s7 =	rddreg [dreg:$0xc];
	[sflag:s14] =	ssyncadd.s32 $0xFFFFC000  }
0xf1: {  	[tilespmem:s15], [sflag:$0x2] =	stream.indirect.gather [hbm4b:s4+s12], $0x80, s7, s12, $0xb8;
	[tilespmem:$0x1CC00] =	vst v63  }
0xf2: {  	s9 =	rddreg [dreg:$0xd]  }
0xf3: {  	[spmem:s2] =	stream.indirect.scatter.add.f32 [tilespmem:s13], [sflag:$0x3], $0x80, s9, s12, $0xb8;
	[tilespmem:$0x1CC00] =	vst v63  }
0xf4: {  	_ =	swait.ge [sflag:s10], $0x4000  }
0xf5: {  	[sflag:s10] =	ssyncset.done $0x0  }
0xf6: {  	[sflag:s10] =	ssyncadd.s32 $0xFFFFC000  }
0xf7: {  	_ =	swait.ge [sflag:s16], $0x4000  }
0xf8: {  	[sflag:s16] =	ssyncset.done $0x0  }
0xf9: {  	s7 =	rddreg [dreg:$0xe];
	[sflag:s16] =	ssyncadd.s32 $0xFFFFC000  }
0xfa: {  	[tilespmem:s13], [sflag:$0x1] =	stream.indirect.gather [hbm4b:s4+s12], $0x80, s7, s12, $0xb8;
	[tilespmem:$0x1CC00] =	vst v63  }
0xfb: {  	s9 =	rddreg [dreg:$0xf]  }
0xfc: {  	[spmem:s2] =	stream.indirect.scatter.add.f32 [tilespmem:s15], [sflag:$0x3], $0x80, s9, s12, $0xb8;
	[tilespmem:$0x1CC00] =	vst v63  }
0xfd: {  	_ =	swait.ge [sflag:s10], $0x4000  }
0xfe: {  	[sflag:s10] =	ssyncset.done $0x0  }
0xff: {  	[sflag:s10] =	ssyncadd.s32 $0xFFFFC000  }
0x100: {  	_ =	swait.ge [sflag:s14], $0x4000  }
0x101: {  	[sflag:s14] =	ssyncset.done $0x0  }
0x102: {  	s7 =	rddreg [dreg:$0x10];
	[sflag:s14] =	ssyncadd.s32 $0xFFFFC000  }
0x103: {  	[tilespmem:s15], [sflag:$0x2] =	stream.indirect.gather [hbm4b:s4+s12], $0x80, s7, s12, $0xb8;
	[tilespmem:$0x1CC00] =	vst v63  }
0x104: {  	s9 =	rddreg [dreg:$0x11]  }
0x105: {  	[spmem:s2] =	stream.indirect.scatter.add.f32 [tilespmem:s13], [sflag:$0x3], $0x80, s9, s12, $0xb8;
	[tilespmem:$0x1CC00] =	vst v63  }
0x106: {  	_ =	swait.ge [sflag:s10], $0x4000  }
0x107: {  	[sflag:s10] =	ssyncset.done $0x0  }
0x108: {  	[sflag:s10] =	ssyncadd.s32 $0xFFFFC000  }
0x109: {  	_ =	swait.ge [sflag:s16], $0x4000  }
0x10a: {  	[sflag:s16] =	ssyncset.done $0x0  }
0x10b: {  	[sflag:s16] =	ssyncadd.s32 $0xFFFFC000  }
0x10c: {  	[tilespmem:s13], [sflag:$0x1] =	stream.indirect.gather [hbm4b:s4+s12], $0x80, s17, s12, $0xb8;
	[tilespmem:$0x1CC00] =	vst v63  }
0x10d: {  	_ = 	snop  }
0x10e: {  	[spmem:s2] =	stream.indirect.scatter.add.f32 [tilespmem:s15], [sflag:$0x3], $0x80, s18, s12, $0xb8;
	[tilespmem:$0x1CC00] =	vst v63  }
0x10f: {  	_ =	swait.ge [sflag:s10], $0x4000  }
0x110: {  	[sflag:s10] =	ssyncset.done $0x0  }
0x111: {  	[sflag:s10] =	ssyncadd.s32 $0xFFFFC000  }
0x112: {  	_ =	swait.ge [sflag:s14], $0x4000  }
0x113: {  	[sflag:s14] =	ssyncset.done $0x0  }
0x114: {  	[sflag:s14] =	ssyncadd.s32 $0xFFFFC000  }
0x115: {  	[tilespmem:s15], [sflag:$0x2] =	stream.indirect.gather [hbm4b:s4+s12], $0x80, s19, s12, $0xb8;
	[tilespmem:$0x1CC00] =	vst v63  }
0x116: {  	_ = 	snop  }
0x117: {  	[spmem:s2] =	stream.indirect.scatter.add.f32 [tilespmem:s13], [sflag:$0x3], $0x80, s20, s12, $0xb8;
	[tilespmem:$0x1CC00] =	vst v63  }
0x118: {  	_ =	swait.ge [sflag:s10], $0x4000  }
0x119: {  	[sflag:s10] =	ssyncset.done $0x0  }
0x11a: {  	[sflag:s10] =	ssyncadd.s32 $0xFFFFC000  }
0x11b: {  	_ =	swait.ge [sflag:s16], $0x4000  }
0x11c: {  	[sflag:s16] =	ssyncset.done $0x0  }
0x11d: {  	[sflag:s16] =	ssyncadd.s32 $0xFFFFC000  }
0x11e: {  	[tilespmem:s13], [sflag:$0x1] =	stream.indirect.gather [hbm4b:s4+s12], $0x80, s21, s12, $0xb8;
	[tilespmem:$0x1CC00] =	vst v63  }
0x11f: {  	_ = 	snop  }
0x120: {  	[spmem:s2] =	stream.indirect.scatter.add.f32 [tilespmem:s15], [sflag:$0x3], $0x80, s22, s12, $0xb8;
	[tilespmem:$0x1CC00] =	vst v63  }
0x121: {  	_ =	swait.ge [sflag:s10], $0x4000  }
0x122: {  	[sflag:s10] =	ssyncset.done $0x0  }
0x123: {  	[sflag:s10] =	ssyncadd.s32 $0xFFFFC000  }
0x124: {  	_ =	swait.ge [sflag:s14], $0x4000  }
0x125: {  	[sflag:s14] =	ssyncset.done $0x0  }
0x126: {  	[sflag:s14] =	ssyncadd.s32 $0xFFFFC000  }
0x127: {  	[tilespmem:s15], [sflag:$0x2] =	stream.indirect.gather [hbm4b:s4+s12], $0x80, s23, s12, $0xb8;
	[tilespmem:$0x1CC00] =	vst v63  }
0x128: {  	_ = 	snop  }
0x129: {  	[spmem:s2] =	stream.indirect.scatter.add.f32 [tilespmem:s13], [sflag:$0x3], $0x80, s24, s12, $0xb8;
	[tilespmem:$0x1CC00] =	vst v63  }
0x12a: {  	_ =	swait.ge [sflag:s10], $0x4000  }
0x12b: {  	[sflag:s10] =	ssyncset.done $0x0  }
0x12c: {  	[sflag:s10] =	ssyncadd.s32 $0xFFFFC000  }
0x12d: {  	_ =	swait.ge [sflag:s16], $0x4000  }
0x12e: {  	[sflag:s16] =	ssyncset.done $0x0  }
0x12f: {  	[sflag:s16] =	ssyncadd.s32 $0xFFFFC000  }
0x130: {  	[tilespmem:s13], [sflag:$0x1] =	stream.indirect.gather [hbm4b:s4+s12], $0x80, s25, s12, $0xb8;
	[tilespmem:$0x1CC00] =	vst v63  }
0x131: {  	_ = 	snop  }
0x132: {  	[spmem:s2] =	stream.indirect.scatter.add.f32 [tilespmem:s15], [sflag:$0x3], $0x80, s26, s12, $0xb8;
	[tilespmem:$0x1CC00] =	vst v63  }
0x133: {  	_ =	swait.ge [sflag:s10], $0x4000  }
0x134: {  	[sflag:s10] =	ssyncset.done $0x0  }
0x135: {  	[sflag:s10] =	ssyncadd.s32 $0xFFFFC000  }
0x136: {  	_ =	swait.ge [sflag:s14], $0x4000  }
0x137: {  	[sflag:s14] =	ssyncset.done $0x0  }
0x138: {  	[sflag:s14] =	ssyncadd.s32 $0xFFFFC000  }
0x139: {  	[tilespmem:s15], [sflag:$0x2] =	stream.indirect.gather [hbm4b:s4+s12], $0x80, s28, s12, $0xb8;
	[tilespmem:$0x1CC00] =	vst v63  }
0x13a: {  	_ = 	snop  }
0x13b: {  	[spmem:s2] =	stream.indirect.scatter.add.f32 [tilespmem:s13], [sflag:$0x3], $0x80, s29, s12, $0xb8;
	[tilespmem:$0x1CC00] =	vst v63  }
0x13c: {  	_ =	swait.ge [sflag:s10], $0x4000  }
0x13d: {  	[sflag:s10] =	ssyncset.done $0x0  }
0x13e: {  	[sflag:s10] =	ssyncadd.s32 $0xFFFFC000  }
0x13f: {  	_ =	swait.ge [sflag:s16], $0x4000  }
0x140: {  	[sflag:s16] =	ssyncset.done $0x0  }
0x141: {  	[sflag:s16] =	ssyncadd.s32 $0xFFFFC000  }
0x142: {  	[tilespmem:s13], [sflag:$0x1] =	stream.indirect.gather [hbm4b:s4+s12], $0x80, s30, s12, $0xb8;
	[tilespmem:$0x1CC00] =	vst v63  }
0x143: {  	_ = 	snop  }
0x144: {  	[spmem:s2] =	stream.indirect.scatter.add.f32 [tilespmem:s15], [sflag:$0x3], $0x80, s31, s12, $0xb8;
	[tilespmem:$0x1CC00] =	vst v63  }
0x145: {  	_ =	swait.ge [sflag:s10], $0x4000  }
0x146: {  	[sflag:s10] =	ssyncset.done $0x0  }
0x147: {  	[sflag:s10] =	ssyncadd.s32 $0xFFFFC000  }
0x148: {  	_ =	swait.ge [sflag:s14], $0x4000  }
0x149: {  	[sflag:s14] =	ssyncset.done $0x0  }
0x14a: {  	[sflag:s14] =	ssyncadd.s32 $0xFFFFC000  }
0x14b: {  	[tilespmem:s15], [sflag:$0x2] =	stream.indirect.gather [hbm4b:s4+s12], $0x80, s1, s12, $0xb8;
	[tilespmem:$0x1CC00] =	vst v63  }
0x14c: {  	_ = 	snop  }
0x14d: {  	[spmem:s2] =	stream.indirect.scatter.add.f32 [tilespmem:s13], [sflag:$0x3], $0x80, s0, s12, $0xb8;
	[tilespmem:$0x1CC00] =	vst v63  }
0x14e: {  	_ =	swait.ge [sflag:s10], $0x4000  }
0x14f: {  	[sflag:s10] =	ssyncset.done $0x0  }
0x150: {  	[sflag:s10] =	ssyncadd.s32 $0xFFFFC000  }
0x151: {  	p0 =	sne.s32 s6, $0x400;
	_ =	swait.ge [sflag:s16], $0x4000  }
.Ltmp0:
0x152: {  	[sflag:s16] =	ssyncset.done $0x0;
	(pc) =	sbr.rel @p0 .LBB2_2-.Ltmp0, $4  }
0x153: {  	[sflag:s16] =	ssyncadd.s32 $0xFFFFC000  }
0x154: {  	[spmem:s2] =	stream.indirect.scatter.add.f32 [tilespmem:s15], [sflag:$0x3], $0x80, s5, s12, $0xb8;
	[tilespmem:$0x1CC00] =	vst v63  }
0x155: {  	_ =	swait.ge [sflag:s10], $0x4000  }
0x156: {  	s6 =	sadd.s32 $0x100, s6;
	s9 =	rddreg [dreg:$0x5];
	[sflag:s10] =	ssyncset.done $0x0  }
0x157: {  	[sflag:s10] =	ssyncadd.s32 $0xFFFFC000;
	s6 =	sadd.s32 s8, s9  }
0x158: {  	[tilespmem:s3], [sflag:$0x3] =	stream.linear.gather [hbm4b:s6+s3], $0x800, $0x38;
	[tilespmem:$0x1CC00] =	vst v63  }
0x159: {  	_ =	swait.ge [sflag:s10], $0x800  }
0x15a: {  	s7 =	rddreg [dreg:$0x4];
	[sflag:s10] =	ssyncset.done $0x0  }
0x15b: {  	[sflag:s10] =	ssyncadd.s32 $0xFFFFF800;
	s6 =	sadd.s32 s8, s7  }
0x15c: {  	[tilespmem:s11], [sflag:$0x3] =	stream.linear.gather [hbm4b:s6+s3], $0x800, $0x38;
	[tilespmem:$0x1CC00] =	vst v63  }
0x15d: {  	_ =	swait.ge [sflag:s10], $0x800  }
0x15e: {  	[sflag:s10] =	ssyncset.done $0x0  }
0x15f: {  	[sflag:s10] =	ssyncadd.s32 $0xFFFFF800  }
0x160: {  	[tilespmem:s13], [sflag:$0x1] =	stream.indirect.gather [hbm4b:s4+s12], $0x80, s3, s12, $0xb8;
	[tilespmem:$0x1CC00] =	vst v63  }
0x161: {  	_ =	swait.ge [sflag:s14], $0x4000  }
0x162: {  	[sflag:s14] =	ssyncset.done $0x0  }
0x163: {  	[sflag:s14] =	ssyncadd.s32 $0xFFFFC000  }
0x164: {  	[tilespmem:s15], [sflag:$0x2] =	stream.indirect.gather [hbm4b:s4+s12], $0x80, s12, s12, $0xb8;
	[tilespmem:$0x1CC00] =	vst v63  }
0x165: {  	_ = 	snop  }
0x166: {  	[spmem:s2] =	stream.indirect.scatter.add.f32 [tilespmem:s13], [sflag:$0x3], $0x80, s11, s12, $0xb8;
	[tilespmem:$0x1CC00] =	vst v63  }
0x167: {  	_ =	swait.ge [sflag:s10], $0x4000  }
0x168: {  	[sflag:s10] =	ssyncset.done $0x0  }
0x169: {  	[sflag:s10] =	ssyncadd.s32 $0xFFFFC000  }
0x16a: {  	_ =	swait.ge [sflag:s16], $0x4000  }
0x16b: {  	[sflag:s16] =	ssyncset.done $0x0  }
0x16c: {  	s9 =	rddreg [dreg:$0x6];
	[sflag:s16] =	ssyncadd.s32 $0xFFFFC000  }
0x16d: {  	[tilespmem:s13], [sflag:$0x1] =	stream.indirect.gather [hbm4b:s4+s12], $0x80, s9, s12, $0xb8;
	[tilespmem:$0x1CC00] =	vst v63  }
0x16e: {  	s7 =	rddreg [dreg:$0x7]  }
0x16f: {  	[spmem:s2] =	stream.indirect.scatter.add.f32 [tilespmem:s15], [sflag:$0x3], $0x80, s7, s12, $0xb8;
	[tilespmem:$0x1CC00] =	vst v63  }
0x170: {  	_ =	swait.ge [sflag:s10], $0x4000  }
0x171: {  	[sflag:s10] =	ssyncset.done $0x0  }
0x172: {  	[sflag:s10] =	ssyncadd.s32 $0xFFFFC000  }
0x173: {  	_ =	swait.ge [sflag:s14], $0x4000  }
0x174: {  	[sflag:s14] =	ssyncset.done $0x0  }
0x175: {  	s8 =	rddreg [dreg:$0x8];
	[sflag:s14] =	ssyncadd.s32 $0xFFFFC000  }
0x176: {  	[tilespmem:s15], [sflag:$0x2] =	stream.indirect.gather [hbm4b:s4+s12], $0x80, s8, s12, $0xb8;
	[tilespmem:$0x1CC00] =	vst v63  }
0x177: {  	s9 =	rddreg [dreg:$0x9]  }
0x178: {  	[spmem:s2] =	stream.indirect.scatter.add.f32 [tilespmem:s13], [sflag:$0x3], $0x80, s9, s12, $0xb8;
	[tilespmem:$0x1CC00] =	vst v63  }
0x179: {  	_ =	swait.ge [sflag:s10], $0x4000  }
0x17a: {  	[sflag:s10] =	ssyncset.done $0x0  }
0x17b: {  	[sflag:s10] =	ssyncadd.s32 $0xFFFFC000  }
0x17c: {  	_ =	swait.ge [sflag:s16], $0x4000  }
0x17d: {  	[sflag:s16] =	ssyncset.done $0x0  }
0x17e: {  	s8 =	rddreg [dreg:$0xa];
	[sflag:s16] =	ssyncadd.s32 $0xFFFFC000  }
0x17f: {  	[tilespmem:s13], [sflag:$0x1] =	stream.indirect.gather [hbm4b:s4+s12], $0x80, s8, s12, $0xb8;
	[tilespmem:$0x1CC00] =	vst v63  }
0x180: {  	s9 =	rddreg [dreg:$0xb]  }
0x181: {  	[spmem:s2] =	stream.indirect.scatter.add.f32 [tilespmem:s15], [sflag:$0x3], $0x80, s9, s12, $0xb8;
	[tilespmem:$0x1CC00] =	vst v63  }
0x182: {  	_ =	swait.ge [sflag:s10], $0x4000  }
0x183: {  	[sflag:s10] =	ssyncset.done $0x0  }
0x184: {  	[sflag:s10] =	ssyncadd.s32 $0xFFFFC000  }
0x185: {  	_ =	swait.ge [sflag:s14], $0x4000  }
0x186: {  	[sflag:s14] =	ssyncset.done $0x0  }
0x187: {  	s8 =	rddreg [dreg:$0xc];
	[sflag:s14] =	ssyncadd.s32 $0xFFFFC000  }
0x188: {  	[tilespmem:s15], [sflag:$0x2] =	stream.indirect.gather [hbm4b:s4+s12], $0x80, s8, s12, $0xb8;
	[tilespmem:$0x1CC00] =	vst v63  }
0x189: {  	s9 =	rddreg [dreg:$0xd]  }
0x18a: {  	[spmem:s2] =	stream.indirect.scatter.add.f32 [tilespmem:s13], [sflag:$0x3], $0x80, s9, s12, $0xb8;
	[tilespmem:$0x1CC00] =	vst v63  }
0x18b: {  	_ =	swait.ge [sflag:s10], $0x4000  }
0x18c: {  	[sflag:s10] =	ssyncset.done $0x0  }
0x18d: {  	[sflag:s10] =	ssyncadd.s32 $0xFFFFC000  }
0x18e: {  	_ =	swait.ge [sflag:s16], $0x4000  }
0x18f: {  	[sflag:s16] =	ssyncset.done $0x0  }
0x190: {  	s8 =	rddreg [dreg:$0xe];
	[sflag:s16] =	ssyncadd.s32 $0xFFFFC000  }
0x191: {  	[tilespmem:s13], [sflag:$0x1] =	stream.indirect.gather [hbm4b:s4+s12], $0x80, s8, s12, $0xb8;
	[tilespmem:$0x1CC00] =	vst v63  }
0x192: {  	s9 =	rddreg [dreg:$0xf]  }
0x193: {  	[spmem:s2] =	stream.indirect.scatter.add.f32 [tilespmem:s15], [sflag:$0x3], $0x80, s9, s12, $0xb8;
	[tilespmem:$0x1CC00] =	vst v63  }
0x194: {  	_ =	swait.ge [sflag:s10], $0x4000  }
0x195: {  	[sflag:s10] =	ssyncset.done $0x0  }
0x196: {  	[sflag:s10] =	ssyncadd.s32 $0xFFFFC000  }
0x197: {  	_ =	swait.ge [sflag:s14], $0x4000  }
0x198: {  	[sflag:s14] =	ssyncset.done $0x0  }
0x199: {  	s7 =	rddreg [dreg:$0x10];
	[sflag:s14] =	ssyncadd.s32 $0xFFFFC000  }
0x19a: {  	[tilespmem:s15], [sflag:$0x2] =	stream.indirect.gather [hbm4b:s4+s12], $0x80, s7, s12, $0xb8;
	[tilespmem:$0x1CC00] =	vst v63  }
0x19b: {  	s8 =	rddreg [dreg:$0x11]  }
0x19c: {  	[spmem:s2] =	stream.indirect.scatter.add.f32 [tilespmem:s13], [sflag:$0x3], $0x80, s8, s12, $0xb8;
	[tilespmem:$0x1CC00] =	vst v63  }
0x19d: {  	_ =	swait.ge [sflag:s10], $0x4000  }
0x19e: {  	[sflag:s10] =	ssyncset.done $0x0  }
0x19f: {  	[sflag:s10] =	ssyncadd.s32 $0xFFFFC000  }
0x1a0: {  	_ =	swait.ge [sflag:s16], $0x4000  }
0x1a1: {  	[sflag:s16] =	ssyncset.done $0x0  }
0x1a2: {  	[sflag:s16] =	ssyncadd.s32 $0xFFFFC000  }
0x1a3: {  	[tilespmem:s13], [sflag:$0x1] =	stream.indirect.gather [hbm4b:s4+s12], $0x80, s17, s12, $0xb8;
	[tilespmem:$0x1CC00] =	vst v63  }
0x1a4: {  	_ = 	snop  }
0x1a5: {  	[spmem:s2] =	stream.indirect.scatter.add.f32 [tilespmem:s15], [sflag:$0x3], $0x80, s18, s12, $0xb8;
	[tilespmem:$0x1CC00] =	vst v63  }
0x1a6: {  	_ =	swait.ge [sflag:s10], $0x4000  }
0x1a7: {  	[sflag:s10] =	ssyncset.done $0x0  }
0x1a8: {  	[sflag:s10] =	ssyncadd.s32 $0xFFFFC000  }
0x1a9: {  	_ =	swait.ge [sflag:s14], $0x4000  }
0x1aa: {  	[sflag:s14] =	ssyncset.done $0x0  }
0x1ab: {  	[sflag:s14] =	ssyncadd.s32 $0xFFFFC000  }
0x1ac: {  	[tilespmem:s15], [sflag:$0x2] =	stream.indirect.gather [hbm4b:s4+s12], $0x80, s19, s12, $0xb8;
	[tilespmem:$0x1CC00] =	vst v63  }
0x1ad: {  	_ = 	snop  }
0x1ae: {  	[spmem:s2] =	stream.indirect.scatter.add.f32 [tilespmem:s13], [sflag:$0x3], $0x80, s20, s12, $0xb8;
	[tilespmem:$0x1CC00] =	vst v63  }
0x1af: {  	_ =	swait.ge [sflag:s10], $0x4000  }
0x1b0: {  	[sflag:s10] =	ssyncset.done $0x0  }
0x1b1: {  	[sflag:s10] =	ssyncadd.s32 $0xFFFFC000  }
0x1b2: {  	_ =	swait.ge [sflag:s16], $0x4000  }
0x1b3: {  	[sflag:s16] =	ssyncset.done $0x0  }
0x1b4: {  	[sflag:s16] =	ssyncadd.s32 $0xFFFFC000  }
0x1b5: {  	[tilespmem:s13], [sflag:$0x1] =	stream.indirect.gather [hbm4b:s4+s12], $0x80, s21, s12, $0xb8;
	[tilespmem:$0x1CC00] =	vst v63  }
0x1b6: {  	_ = 	snop  }
0x1b7: {  	[spmem:s2] =	stream.indirect.scatter.add.f32 [tilespmem:s15], [sflag:$0x3], $0x80, s22, s12, $0xb8;
	[tilespmem:$0x1CC00] =	vst v63  }
0x1b8: {  	_ =	swait.ge [sflag:s10], $0x4000  }
0x1b9: {  	[sflag:s10] =	ssyncset.done $0x0  }
0x1ba: {  	[sflag:s10] =	ssyncadd.s32 $0xFFFFC000  }
0x1bb: {  	_ =	swait.ge [sflag:s14], $0x4000  }
0x1bc: {  	[sflag:s14] =	ssyncset.done $0x0  }
0x1bd: {  	[sflag:s14] =	ssyncadd.s32 $0xFFFFC000  }
0x1be: {  	[tilespmem:s15], [sflag:$0x2] =	stream.indirect.gather [hbm4b:s4+s12], $0x80, s23, s12, $0xb8;
	[tilespmem:$0x1CC00] =	vst v63  }
0x1bf: {  	_ = 	snop  }
0x1c0: {  	[spmem:s2] =	stream.indirect.scatter.add.f32 [tilespmem:s13], [sflag:$0x3], $0x80, s24, s12, $0xb8;
	[tilespmem:$0x1CC00] =	vst v63  }
0x1c1: {  	_ =	swait.ge [sflag:s10], $0x4000  }
0x1c2: {  	[sflag:s10] =	ssyncset.done $0x0  }
0x1c3: {  	[sflag:s10] =	ssyncadd.s32 $0xFFFFC000  }
0x1c4: {  	_ =	swait.ge [sflag:s16], $0x4000  }
0x1c5: {  	[sflag:s16] =	ssyncset.done $0x0  }
0x1c6: {  	[sflag:s16] =	ssyncadd.s32 $0xFFFFC000  }
0x1c7: {  	[tilespmem:s13], [sflag:$0x1] =	stream.indirect.gather [hbm4b:s4+s12], $0x80, s25, s12, $0xb8;
	[tilespmem:$0x1CC00] =	vst v63  }
0x1c8: {  	_ = 	snop  }
0x1c9: {  	[spmem:s2] =	stream.indirect.scatter.add.f32 [tilespmem:s15], [sflag:$0x3], $0x80, s26, s12, $0xb8;
	[tilespmem:$0x1CC00] =	vst v63  }
0x1ca: {  	_ =	swait.ge [sflag:s10], $0x4000  }
0x1cb: {  	[sflag:s10] =	ssyncset.done $0x0  }
0x1cc: {  	[sflag:s10] =	ssyncadd.s32 $0xFFFFC000  }
0x1cd: {  	_ =	swait.ge [sflag:s14], $0x4000  }
0x1ce: {  	[sflag:s14] =	ssyncset.done $0x0  }
0x1cf: {  	[sflag:s14] =	ssyncadd.s32 $0xFFFFC000  }
0x1d0: {  	[tilespmem:s15], [sflag:$0x2] =	stream.indirect.gather [hbm4b:s4+s12], $0x80, s28, s12, $0xb8;
	[tilespmem:$0x1CC00] =	vst v63  }
0x1d1: {  	_ = 	snop  }
0x1d2: {  	[spmem:s2] =	stream.indirect.scatter.add.f32 [tilespmem:s13], [sflag:$0x3], $0x80, s29, s12, $0xb8;
	[tilespmem:$0x1CC00] =	vst v63  }
0x1d3: {  	_ =	swait.ge [sflag:s10], $0x4000  }
0x1d4: {  	[sflag:s10] =	ssyncset.done $0x0  }
0x1d5: {  	[sflag:s10] =	ssyncadd.s32 $0xFFFFC000  }
0x1d6: {  	_ =	swait.ge [sflag:s16], $0x4000  }
0x1d7: {  	[sflag:s16] =	ssyncset.done $0x0  }
0x1d8: {  	[sflag:s16] =	ssyncadd.s32 $0xFFFFC000  }
0x1d9: {  	[tilespmem:s13], [sflag:$0x1] =	stream.indirect.gather [hbm4b:s4+s12], $0x80, s30, s12, $0xb8;
	[tilespmem:$0x1CC00] =	vst v63  }
0x1da: {  	_ = 	snop  }
0x1db: {  	[spmem:s2] =	stream.indirect.scatter.add.f32 [tilespmem:s15], [sflag:$0x3], $0x80, s31, s12, $0xb8;
	[tilespmem:$0x1CC00] =	vst v63  }
0x1dc: {  	_ =	swait.ge [sflag:s10], $0x4000  }
0x1dd: {  	[sflag:s10] =	ssyncset.done $0x0  }
0x1de: {  	[sflag:s10] =	ssyncadd.s32 $0xFFFFC000  }
0x1df: {  	_ =	swait.ge [sflag:s14], $0x4000  }
0x1e0: {  	[sflag:s14] =	ssyncset.done $0x0  }
0x1e1: {  	[sflag:s14] =	ssyncadd.s32 $0xFFFFC000  }
0x1e2: {  	[tilespmem:s15], [sflag:$0x2] =	stream.indirect.gather [hbm4b:s4+s12], $0x80, s1, s12, $0xb8;
	[tilespmem:$0x1CC00] =	vst v63  }
0x1e3: {  	_ = 	snop  }
0x1e4: {  	[spmem:s2] =	stream.indirect.scatter.add.f32 [tilespmem:s13], [sflag:$0x3], $0x80, s0, s12, $0xb8;
	[tilespmem:$0x1CC00] =	vst v63  }
0x1e5: {  	_ =	swait.ge [sflag:s10], $0x4000  }
0x1e6: {  	[sflag:s10] =	ssyncset.done $0x0  }
0x1e7: {  	[sflag:s10] =	ssyncadd.s32 $0xFFFFC000  }
0x1e8: {  	_ =	swait.ge [sflag:s16], $0x4000  }
0x1e9: {  	[sflag:s16] =	ssyncset.done $0x0  }
0x1ea: {  	[sflag:s16] =	ssyncadd.s32 $0xFFFFC000  }
0x1eb: {  	[spmem:s2] =	stream.indirect.scatter.add.f32 [tilespmem:s15], [sflag:$0x3], $0x80, s5, s12, $0xb8;
	[tilespmem:$0x1CC00] =	vst v63  }
0x1ec: {  	_ =	swait.ge [sflag:s10], $0x4000  }
0x1ed: {  	[sflag:s10] =	ssyncset.done $0x0  }
0x1ee: {  	[sflag:s10] =	ssyncadd.s32 $0xFFFFC000  }
0x1ef: {  	[bflag:$0x0] =	sbarrier.arrive $0xFFFF  }
0x1f0: {  	s7 =	rddreg [dreg:$0x13]  }
0x1f1: {  	s9 =	rddreg [dreg:$0x14]  }
0x1f2: {  	s8 =	rddreg [dreg:$0x16]  }
0x1f3: {  	[hbm:s9], [sflag:s7] =	dma.local [spmem:s8], $0x2780  }
0x1f4: {  	_ =	swait.ge [sflag:s10], $0x2780  }
0x1f5: {  	s6 =	rddreg [dreg:$0x17]  }
0x1f6: {  	s9 =	sadd.s32 $0x1, s6;
	s6 =	rddreg [dreg:$0x15]  }
0x1f7: {  	p0 =	sne.s32 s9, s6  }
.Ltmp1:
0x1f8: {  	_ = 	snop;
	(pc) =	sbr.rel @p0 .LBB2_1-.Ltmp1, $3  }
0x1f9: {  	_ =	sdelay $0x1  }
0x1fa: {  	[sflag:s10] =	ssyncset.done $0x0  }
0x1fb: {  	[sflag:s10] =	ssyncadd.s32 $0xFFFFD880  }
0x1fc: {  	_ =	sfence.sel $0x180000  }
0x1fd: {  	[bflag:$0x0] =	sbarrier.arrive $0xFFFF  }
0x1fe: {  	_ =	strace $0x9000004D  }
0x1ff: {  	s0 =	stileid.u32;
	[bflag:$0x2] =	sbarrier.arrive $0xFFFF  }
0x200: {  	p0 =	sne.s32 s0, $0x0;
	s0 =	rddreg [dreg:$0x3]  }
0x201: {  	s0 =	sadd.s32 @!p0 $0x100000, s0  }
0x202: {  	[sflag:s0] =	ssyncadd.tile.s32 @!p0 $0x1;
	_ =	shalt  }
.Lfunc_end2:
_tile_overlayer_lowered:
.L_overlay_start_2:
0x203: {  	(tag) =	ssettag $0x2  }
0x204: {  	s0 =	rddreg [dreg:$0x0];
	s2 =	stileid.u32  }
0x205: {  	s1 =	rddreg [dreg:$0x1];
	p0 =	sne.s32 s2, $0x0  }
0x206: {  	s3 =	rddreg [dreg:$0x2];
	[bflag:$0x3] =	sbarrier.arrive $0xFFFF;
	s2 =	simm.s32 @!p0 $0x1C03  }
0x207: {  	[timem:s3], [sflag:s2] =	dma.local @!p0 [hbm:s0], s1  }
0x208: {  	s0 =	simm.s32 @!p0 $0x3  }
0x209: {  	_ =	swait.ge @!p0 [sflag:s0], s1  }
0x20a: {  	s1 =	ssub.s32 @!p0 $0x0, s1;
	[sflag:s0] =	ssyncset.done @!p0 $0x0  }
0x20b: {  	[sflag:s0] =	ssyncadd.s32 @!p0 s1  }
0x20c: {  	[bflag:$0x3] =	sbarrier.arrive $0xFFFF  }
0x20d: {  	_ =	shalt  }

// kernel: kernel.8.cloned.1.call-start
scs
__scs_entry_jumppad:
0x0: {  	(pc) =	sbr.rel $0x88, $3  }
0x1: {  	(tag) =	ssettag $0x0;
	lr =	simm.s32 $0x1  }
0x2: {  	[smem:$0x3F99] =	sst lr;
	_ =	strace $0xD0000000  }
0x3: {  	_ = 	snop  }
0x4: {  	_ = 	snop  }
0x5: {  	_ = 	snop  }
0x6: {  	_ = 	snop  }
0x7: {  	_ = 	snop  }
__scs_overlays_trampoline_lowered:
0x8: {  	[smem:$0x3FA8] =	sst s0  }
0x9: {  	[smem:$0x3FA9] =	sst s1  }
0xa: {  	[smem:$0x3FAA] =	sst s2  }
0xb: {  	[smem:$0x3FAB] =	sst s3  }
0xc: {  	[smem:$0x3FAC] =	sst s4  }
0xd: {  	[smem:$0x3FAD] =	sst s5  }
0xe: {  	[smem:$0x3FAE] =	sst s6  }
0xf: {  	[smem:$0x3FAF] =	sst s7  }
0x10: {  	[smem:$0x3FB0] =	sst s8  }
0x11: {  	[smem:$0x3FB1] =	sst s9;
	s0 =	simm.s32 @!p0 $0x0  }
0x12: {  	s1 =	sld [smem:$0x3F97];
	s0 =	simm.s32 @p0 $0x1  }
0x13: {  	[smem:$0x3FB2] =	sst s0;
	s0 =	simm.s32 @!p1 $0x0  }
0x14: {  	s2 =	sld [smem:$0x3F96];
	s0 =	simm.s32 @p1 $0x1  }
0x15: {  	[smem:$0x3FB3] =	sst s0;
	s0 =	simm.s32 @!p2 $0x0  }
0x16: {  	s3 =	sld [smem:$0x3FDB];
	s0 =	simm.s32 @p2 $0x1  }
0x17: {  	s4 =	simm.s32 $0x1BF5;
	[smem:$0x3FB5] =	sst s0  }
0x18: {  	s0 =	sld [smem:$0x3F98];
	_ =	swait.ge [sflag:s4], $0x0  }
0x19: {  	s7 =	sld [smem:$0x3F99]  }
0x1a: {  	s8 =	sadd.s32 $0xFFFFE003, lr  }
0x1b: {  	s9 =	sadd.s32 $0xFFFFFEF7, lr;
	s5 =	simm.s32 $0xFFFFFFFF;
	p2 =	slt.u32 s8, $0xFFFFF086  }
0x1c: {  	p1 =	slt.u32 s9, $0xF7A;
	s5 =	simm.s32 @!p2 $0x0  }
0x1d: {  	s5 =	simm.s32 @p1 $0x1;
	p0 =	seq.s32 s7, s2  }
0x1e: {  	s7 =	smul.u32 @!p0 $0xF7A, s2;
	p2 =	seq.s32 @!p0 s5, $0x0  }
0x1f: {  	s9 =	smul.u32 $0xF7A, s1;
	s8 =	simm.s32 @!p0 $0x1BF5;
	p2 =	por !p2, p0  }
0x20: {  	[sflag:s8] =	ssyncset.s32 @!p0 $0xFFFFF086;
	s6 =	sadd.s32 @!p0 s3, s7;
	s7 =	simm.s32 @!p0 $0x108  }
0x21: {  	s3 =	sadd.s32 s3, s9;
	s6 =	sadd.s32 @!p0 $0x88, s6;
	s7 =	simm.s32 @p2 $0x1082  }
0x22: {  	[simem:s7], [sflag:s8] =	dma.local @!p0 [hbm:s6], $0xF7A  }
0x23: {  	s9 =	sor.u32 $0xD0000000, s2;
	s6 =	simm.s32 $0x108;
	_ =	swait.ge @!p0 [sflag:s8], $0x0  }
0x24: {  	s3 =	sadd.s32 $0x88, s3;
	s6 =	simm.s32 @!p1 $0x1082;
	[sflag:s4] =	ssyncset.s32 $0xFFFFF086  }
0x25: {  	[simem:s6], [sflag:s4] =	dma.local [hbm:s3], $0xF7A  }
0x26: {  	[smem:$0x3F99] =	sst s1;
	(tag) =	ssettag s2;
	_ =	strace s9  }
0x27: {  	s1 =	sld [smem:$0x3FA9]  }
0x28: {  	s2 =	sld [smem:$0x3FAA]  }
0x29: {  	s4 =	sld [smem:$0x3FAC]  }
0x2a: {  	p0 =	seq.s32 s5, $0x0;
	s5 =	sld [smem:$0x3FAD]  }
0x2b: {  	s6 =	sld [smem:$0x3FAE]  }
0x2c: {  	s7 =	sld [smem:$0x3FAF]  }
0x2d: {  	s3 =	simm.s32 $0x108;
	s8 =	sld [smem:$0x3FB0]  }
0x2e: {  	s3 =	simm.s32 @!p0 $0x1082;
	s9 =	sld [smem:$0x3FB1]  }
0x2f: {  	lr =	sadd.s32 s0, s3;
	s0 =	sld [smem:$0x3FA8]  }
0x30: {  	s3 =	sld [smem:$0x3FAB]  }
0x31: {  	[smem:$0x3FB4] =	sst s10  }
0x32: {  	s10 =	sld [smem:$0x3FB2];
	_ =	sdelay $0x3  }
0x33: {  	p0 =	seq.s32 s10, $0x1;
	s10 =	sld [smem:$0x3FB4];
	_ =	sdelay $0x3  }
0x34: {  	[smem:$0x3FB4] =	sst s10  }
0x35: {  	s10 =	sld [smem:$0x3FB3];
	_ =	sdelay $0x3  }
0x36: {  	p1 =	seq.s32 s10, $0x1;
	s10 =	sld [smem:$0x3FB4];
	_ =	sdelay $0x3  }
0x37: {  	[smem:$0x3FB4] =	sst s10  }
0x38: {  	s10 =	sld [smem:$0x3FB5]  }
0x39: {  	_ = 	snop;
	(pc) =	sbr.ind lr, $3  }
0x3a: {  	_ = 	snop  }
0x3b: {  	_ = 	snop  }
0x3c: {  	p2 =	seq.s32 s10, $0x1;
	s10 =	sld [smem:$0x3FB4]  }
0x3d: {  	_ =	shalt  }
0x3e: {  	_ =	shalt  }
0x3f: {  	_ =	shalt  }
0x40: {  	_ =	shalt  }
0x41: {  	_ =	shalt  }
0x42: {  	_ =	shalt  }
0x43: {  	_ =	shalt  }
0x44: {  	_ =	shalt  }
0x45: {  	_ =	shalt  }
0x46: {  	_ =	shalt  }
0x47: {  	_ =	shalt  }
0x48: {  	_ =	shalt  }
0x49: {  	_ =	shalt  }
0x4a: {  	_ =	shalt  }
0x4b: {  	_ =	shalt  }
0x4c: {  	_ =	shalt  }
0x4d: {  	_ =	shalt  }
0x4e: {  	_ =	shalt  }
0x4f: {  	_ =	shalt  }
0x50: {  	_ =	shalt  }
0x51: {  	_ =	shalt  }
0x52: {  	_ =	shalt  }
0x53: {  	_ =	shalt  }
0x54: {  	_ =	shalt  }
0x55: {  	_ =	shalt  }
0x56: {  	_ =	shalt  }
0x57: {  	_ =	shalt  }
0x58: {  	_ =	shalt  }
0x59: {  	_ =	shalt  }
0x5a: {  	_ =	shalt  }
0x5b: {  	_ =	shalt  }
0x5c: {  	_ =	shalt  }
0x5d: {  	_ =	shalt  }
0x5e: {  	_ =	shalt  }
0x5f: {  	_ =	shalt  }
0x60: {  	_ =	shalt  }
0x61: {  	_ =	shalt  }
0x62: {  	_ =	shalt  }
0x63: {  	_ =	shalt  }
0x64: {  	_ =	shalt  }
0x65: {  	_ =	shalt  }
0x66: {  	_ =	shalt  }
0x67: {  	_ =	shalt  }
0x68: {  	_ =	shalt  }
0x69: {  	_ =	shalt  }
0x6a: {  	_ =	shalt  }
0x6b: {  	_ =	shalt  }
0x6c: {  	_ =	shalt  }
0x6d: {  	_ =	shalt  }
0x6e: {  	_ =	shalt  }
0x6f: {  	_ =	shalt  }
0x70: {  	_ =	shalt  }
0x71: {  	_ =	shalt  }
0x72: {  	_ =	shalt  }
0x73: {  	_ =	shalt  }
0x74: {  	_ =	shalt  }
0x75: {  	_ =	shalt  }
0x76: {  	_ =	shalt  }
0x77: {  	_ =	shalt  }
0x78: {  	_ =	shalt  }
0x79: {  	_ =	shalt  }
0x7a: {  	_ =	shalt  }
0x7b: {  	_ =	shalt  }
0x7c: {  	_ =	shalt  }
0x7d: {  	_ =	shalt  }
0x7e: {  	_ =	shalt  }
0x7f: {  	_ =	shalt  }
0x80: {  	_ =	shalt  }
0x81: {  	_ =	shalt  }
0x82: {  	_ =	shalt  }
0x83: {  	_ =	shalt  }
0x84: {  	_ =	shalt  }
0x85: {  	_ =	shalt  }
0x86: {  	_ =	shalt  }
0x87: {  	_ =	shalt  }
.Lfunc_end0:
.L_simem_size_0:
called_computation_lowered:
.L_overlay_start_0:
0x88: {  	s2 =	sld [smem:$0x3FD9]  }
0x89: {  	s3 =	sld [smem:$0x3FFE];
	_ =	sdelay $0x1  }
0x8a: {  	s1 =	srdreg.scid  }
0x8b: {  	s0 =	sand.u32 $0x1, s1  }
0x8c: {  	s17 =	sshll.u32 s0, $0xA;
	s2 =	sadd.s32 s3, s2  }
0x8d: {  	s2 =	sadd.s32 s2, s17  }
0x8e: {  	[smem:$0x3FC0] =	sst s2  }
0x8f: {  	_ = 	snop  }
0x90: {  	s2 =	sld [smem:$0x3FD0];
	(tm) =	ssettm $0x1  }
0x91: {  	s18 =	sld [smem:$0x3FFB];
	_ =	sdelay $0x3  }
0x92: {  	_ =	strace s18  }
0x93: {  	s3 =	sld [smem:$0x3FFC];
	_ =	sdelay $0x3  }
0x94: {  	_ =	strace s3  }
0x95: {  	s3 =	sld [smem:$0x3FFD];
	_ =	sdelay $0x3  }
0x96: {  	_ =	strace s3  }
0x97: {  	_ =	strace $0x8FFFFFFF  }
0x98: {  	s19 =	sld [smem:$0x3FDB];
	_ =	sdelay $0x1  }
0x99: {  	s4 =	simm.s32 $_scs_section_size  }
0x9a: {  	s5 =	simm.s32 $_size__tile_overlayer_lowered;
	s6 =	simm.s32 $_tile_overlayer_lowered  }
0x9b: {  	s22 =	simm.s32 $0x1BFF;
	s21 =	sshll.u32 s6, $0x1;
	s3 =	sadd.s32 s4, s19  }
0x9c: {  	s7 =	simm.s32 $0x0;
	s20 =	sshll.u32 s5, $0x1;
	s5 =	sadd.s32 s21, s3  }
0x9d: {  	[timem:s7], [sflag:s22] =	dma.local [hbm:s5], s20  }
0x9e: {  	_ =	swait.ge [sflag:s22], s20  }
0x9f: {  	s4 =	ssub.s32 $0x0, s20;
	[sflag:s22] =	ssyncset.done $0x0  }
0xa0: {  	[sflag:s22] =	ssyncadd.s32 s4;
	_ =	sdelay $0x1  }
0xa1: {  	s23 =	simm.s32 $0x1B8B  }
0xa2: {  	_ =	swait.ge [sflag:s23], $0x1  }
0xa3: {  	[sflag:s23] =	ssyncset.done $0x0  }
0xa4: {  	s25 =	simm.s32 $0x1B8E;
	s24 =	sld [smem:$0x3FFE];
	[sflag:s23] =	ssyncadd.s32 $0xFFFFFFFF  }
0xa5: {  	s26 =	simm.s32 $execute0_lowered;
	[smem:$0x3FD2] =	sst s25  }
0xa6: {  	s5 =	sshll.u32 s26, $0x1;
	_ =	strace $0x80000046;
	[dreg:$0x1] =	wrdreg $0xFFFFFFFF  }
0xa7: {  	s28 =	simm.s32 $_size_execute0_lowered;
	s3 =	sadd.s32 s3, s5;
	[dreg:$0x0] =	wrdreg $0x0  }
0xa8: {  	s5 =	sshll.u32 s28, $0x1;
	[dreg:$0x2] =	wrdreg s3  }
0xa9: {  	[dreg:$0x3] =	wrdreg s5  }
0xaa: {  	[dreg:$0x4] =	wrdreg $0xC0  }
0xab: {  	_ =	task [dreg:s7], $0x5FFFF  }
0xac: {  	[dreg:$0x1] =	wrdreg $0xFFFFFFFF  }
0xad: {  	[dreg:$0x0] =	wrdreg $0x60  }
0xae: {  	[dreg:$0x2] =	wrdreg s2  }
0xaf: {  	[dreg:$0x3] =	wrdreg s24  }
0xb0: {  	[dreg:$0x4] =	wrdreg $0x68000  }
0xb1: {  	[dreg:$0x5] =	wrdreg $0x9  }
0xb2: {  	_ =	task.clear_ibuf [dreg:s7], $0x6FFFF;
	_ =	strace $0x90000046  }
0xb3: {  	s29 =	simm.s32 $0x9;
	_ =	strace $0x80000048  }
0xb4: {  	_ =	swait.ge [sflag:s29], $0x1  }
0xb5: {  	[sflag:s29] =	ssyncadd.s32 $0xFFFFFFFF  }
0xb6: {  	_ =	strace $0x90000048  }
0xb7: {  	_ =	sfence  }
0xb8: {  	s30 =	sld [smem:$0x0];
	_ =	sdelay $0x2  }
0xb9: {  	s31 =	sshll.u32 s1, $0xD;
	s1 =	sshrl.u32 s1, $0x2  }
0xba: {  	s3 =	sand.u32 $0x4000, s31;
	s1 =	sadd.s32 s1, s30  }
0xbb: {  	s0 =	sor.u32 s3, s0;
	s1 =	sshll.u32 s1, $0x11  }
0xbc: {  	s0 =	sor.u32 s1, s0  }
0xbd: {  	s0 =	sadd.s32 $0x8F2B, s0  }
0xbe: {  	[sflag:s0] =	ssyncadd.remote.s32 $0x1  }
0xbf: {  	_ =	sfence.sel $0xFFFF  }
0xc0: {  	[dreg:$0x0] =	wrdreg $0xFFFFFFFF;
	(pc) =	sbr.abs _section_cstart, $3  }
0xc1: {  	[dreg:$0x1] =	wrdreg $0xFFFFFFFF  }
0xc2: {  	_ =	task.clear_ibuf [dreg:s7], $0x2FFFF;
	_ =	strace $0x9FFFFFFF  }
0xc3: {  	(tm) =	ssettm $0x7FFFFFFF  }
tec
execute0_lowered:
.L_overlay_start_1:
0x0: {  	(tag) =	ssettag $0x1  }
0x1: {  	s5 =	rddreg [dreg:$0x0]  }
0x2: {  	s6 =	rddreg [dreg:$0x1]  }
0x3: {  	s2 =	rddreg [dreg:$0x2]  }
0x4: {  	s0 =	stileid.u32;
	s4 =	srdreg.scid  }
0x5: {  	s1 =	rddreg [dreg:$0x3];
	s3 =	simm.s32 $0x0;
	s13 =	simm.s32 $0x80  }
0x6: {  	s14 =	simm.s32 $0x0;
	s7 =	smul.u32 $0x13C00, s0;
	s8 =	sand.u32 $0x1, s4  }
0x7: {  	[smem:$0x7FF] =	sst s3;
	s4 =	sadd.s32 $0x34200, s6;
	s11 =	smul.u32 $0x4F000, s0  }
0x8: {  	s31 =	sshll.u32 s0, $0x6;
	s9 =	smul.u32 $0x13C000, s8;
	_ =	strace $0x80000047  }
0x9: {  	s28 =	sshll.u32 s8, $0x4;
	s8 =	ssub.s32 $0x2, s8;
	s26 =	sshrl.u32 s7, $0x3  }
0xa: {  	s12 =	sshrl.u32 s8, $0x1;
	s29 =	sshrl.u32 s11, $0x2;
	s11 =	sor.u32 $0x1C01, s31  }
0xb: {  	s10 =	sadd.s32 s26, s6;
	s7 =	sadd.s32 s7, s9;
	s9 =	sor.u32 s0, s28  }
0xc: {  	s8 =	ssub.s32 s8, s12;
	s30 =	sadd.s32 s29, s2;
	s7 =	sshrl.u32 s7, $0x3  }
0xd: {  	s9 =	smul.u32 $0x500, s9;
	s8 =	smax.u32 s8, $0x1;
	s12 =	sshrl.u32 s30, $0x3  }
0xe: {  	s7 =	sadd.s32 s7, s6;
	s6 =	sadd.s32 $0xCA00, s10;
	s10 =	simm.s32 $0x2800  }
0xf: {  	s5 =	sadd.s32 s5, s9;
	s7 =	sadd.s32 $0x34A00, s7;
	s9 =	simm.s32 $0x1  }
.LBB2_1:
0x10: {  	[tilespmem:s3], [sflag:$0x1] =	stream.linear.gather [hbm4b:s5+s3], $0x2800, $0x38;
	[tilespmem:$0x1A400] =	vst v63  }
0x11: {  	_ =	swait.ge [sflag:s9], $0x2800  }
0x12: {  	[sflag:s9] =	ssyncset.done $0x0  }
0x13: {  	[sflag:s9] =	ssyncadd.s32 $0xFFFFD800  }
0x14: {  	[tilespmem:s10], [sflag:$0x1] =	stream.linear.gather [hbm4b:s4+s3], $0x4000, $0x38;
	[tilespmem:$0x1A400] =	vst v63  }
0x15: {  	_ =	swait.ge [sflag:s9], $0x4000  }
0x16: {  	[sflag:s9] =	ssyncset.done $0x0  }
0x17: {  	[sflag:s9] =	ssyncadd.s32 $0xFFFFC000  }
0x18: {  	[spmem:s12], [sflag:s11] =	dma.local [hbm:s6], $0x2780  }
0x19: {  	_ =	swait.ge [sflag:s9], $0x2780  }
0x1a: {  	[sflag:s9] =	ssyncset.done $0x0  }
0x1b: {  	[sflag:s9] =	ssyncadd.s32 $0xFFFFD880  }
0x1c: {  	s15 =	simm.s32 $0x0;
	[bflag:$0x0] =	sbarrier.arrive $0xFFFF  }
0x1d: {  	[spmem:s2] =	stream.indirect.scatter.add.f32 [tilespmem:s10], [sflag:$0x1], $0x80, s15, s13, $0xb8;
	[tilespmem:$0x1A400] =	vst v63  }
0x1e: {  	_ =	swait.ge [sflag:s9], $0x4000  }
0x1f: {  	s15 =	simm.s32 $0x200;
	[sflag:s9] =	ssyncset.done $0x0  }
.LBB2_2:
0x20: {  	s16 =	sshra.s32 s15, $0x2;
	[sflag:s9] =	ssyncadd.s32 $0xFFFFC000;
	p0 =	sne.s32 s15, $0x9E00  }
0x21: {  	[spmem:s2] =	stream.indirect.scatter.add.f32 [tilespmem:s10], [sflag:$0x1], $0x80, s16, s13, $0xb8;
	[tilespmem:$0x1A400] =	vst v63  }
.Ltmp0:
0x22: {  	_ = 	snop;
	(pc) =	sbr.rel @p0 .LBB2_2-.Ltmp0, $4  }
0x23: {  	_ = 	snop  }
0x24: {  	s15 =	sadd.s32 $0x200, s15  }
0x25: {  	_ =	swait.ge [sflag:s9], $0x4000  }
0x26: {  	[sflag:s9] =	ssyncset.done $0x0  }
0x27: {  	s14 =	sadd.s32 $0x1, s14  }
0x28: {  	[sflag:s9] =	ssyncadd.s32 $0xFFFFC000;
	p0 =	sne.s32 s14, s8  }
.Ltmp1:
0x29: {  	[bflag:$0x0] =	sbarrier.arrive $0xFFFF;
	(pc) =	sbr.rel @p0 .LBB2_1-.Ltmp1, $4  }
0x2a: {  	[hbm:s7], [sflag:s11] =	dma.local [spmem:s12], $0x2780  }
0x2b: {  	_ =	swait.ge [sflag:s9], $0x2780  }
0x2c: {  	[sflag:s9] =	ssyncset.done $0x0  }
0x2d: {  	[sflag:s9] =	ssyncadd.s32 $0xFFFFD880  }
0x2e: {  	_ =	sfence.sel $0x180000  }
0x2f: {  	[bflag:$0x0] =	sbarrier.arrive $0xFFFF  }
0x30: {  	p0 =	sne.s32 s0, $0x0;
	_ =	strace $0x90000047  }
0x31: {  	s0 =	sadd.s32 @!p0 $0x100000, s1;
	[bflag:$0x2] =	sbarrier.arrive $0xFFFF  }
0x32: {  	[sflag:s0] =	ssyncadd.tile.s32 @!p0 $0x1;
	_ =	shalt  }
.Lfunc_end2:
_tile_overlayer_lowered:
.L_overlay_start_2:
0x33: {  	(tag) =	ssettag $0x2  }
0x34: {  	s0 =	rddreg [dreg:$0x0];
	s2 =	stileid.u32  }
0x35: {  	s1 =	rddreg [dreg:$0x1];
	p0 =	sne.s32 s2, $0x0  }
0x36: {  	s3 =	rddreg [dreg:$0x2];
	[bflag:$0x3] =	sbarrier.arrive $0xFFFF;
	s2 =	simm.s32 @!p0 $0x1C01  }
0x37: {  	[timem:s3], [sflag:s2] =	dma.local @!p0 [hbm:s0], s1  }
0x38: {  	s0 =	simm.s32 @!p0 $0x1  }
0x39: {  	_ =	swait.ge @!p0 [sflag:s0], s1  }
0x3a: {  	s1 =	ssub.s32 @!p0 $0x0, s1;
	[sflag:s0] =	ssyncset.done @!p0 $0x0  }
0x3b: {  	[sflag:s0] =	ssyncadd.s32 @!p0 s1  }
0x3c: {  	[bflag:$0x3] =	sbarrier.arrive $0xFFFF  }
0x3d: {  	_ =	shalt  }

</sc_bundles>
